<compile_context>
chip_gen: v7x
topology: tpu7x:2x2x1
jax: 0.10.2.dev20260603
libtpu: 0.0.44.dev20260713+nightly
codegen_flags: <defaults>
</compile_context>

<pallas_src>
import functools
import math

import numpy as np
import jax
import jax.numpy as jnp
from jax import lax
from jax.experimental import pallas as pl
from jax.experimental.pallas import tpu as pltpu
from jax.experimental.pallas import tpu_sc as plsc

VOCAB = 100000
EMB = 64
CELL_IN = 128
BATCH = 4096
L = 200


def _make_pe_np():
    position = np.arange(0, L, dtype=np.float32)[:, None]
    div_term = np.exp(
        np.arange(0, EMB, 2, dtype=np.float32) * (-math.log(10000.0) / EMB))
    pe = np.zeros((L, EMB), dtype=np.float32)
    pe[:, 0::2] = np.sin(position * div_term)
    pe[:, 1::2] = np.cos(position * div_term)
    return pe


_PE = _make_pe_np()


def _cell_proj_tc(cell_emb, W, b):
    BB = 512

    def body(x_ref, w_ref, b_ref, o_ref):
        o_ref[...] = (
            jnp.dot(x_ref[...], w_ref[...].T, preferred_element_type=jnp.float32)
            + b_ref[...])

    return pl.pallas_call(
        body,
        grid=(BATCH // BB,),
        in_specs=[
            pl.BlockSpec((BB, CELL_IN), lambda i: (i, 0)),
            pl.BlockSpec((EMB, CELL_IN), lambda i: (0, 0)),
            pl.BlockSpec((1, EMB), lambda i: (0, 0)),
        ],
        out_specs=pl.BlockSpec((BB, EMB), lambda i: (i, 0)),
        out_shape=jax.ShapeDtypeStruct((BATCH, EMB), jnp.float32),
    )(cell_emb, W, b.reshape(1, EMB))


def _sc_embed(seqs, emb_table, cell_proj, gamma, beta, pe):
    info = plsc.get_sparse_core_info()
    NC, NS = info.num_cores, info.num_subcores
    NW = NC * NS
    BPW = BATCH // NW

    mesh = plsc.VectorSubcoreMesh(core_axis_name="c", subcore_axis_name="s")

    @functools.partial(
        pl.kernel,
        mesh=mesh,
        compiler_params=pltpu.CompilerParams(
            needs_layout_passes=False, use_tc_tiling_on_sc=False),
        out_type=jax.ShapeDtypeStruct((BATCH * L, EMB), jnp.float32),
        scratch_types=[
            pltpu.VMEM((L,), jnp.int32),
            pltpu.VMEM((EMB,), jnp.float32),
            pltpu.VMEM((L, EMB), jnp.float32),
            pltpu.VMEM((EMB,), jnp.float32),
            pltpu.VMEM((EMB,), jnp.float32),
            pltpu.VMEM((L, EMB), jnp.float32),
            pltpu.VMEM((L, EMB), jnp.float32),
            pltpu.SemaphoreType.DMA,
        ],
    )
    def k(seqs_hbm, table_hbm, cell_hbm, gamma_hbm, beta_hbm, pe_hbm,
          out_hbm, idx_v, cell_v, pe_v, g_v, be_v, rows_v, out_v, gsem):
        wid = lax.axis_index("s") * NC + lax.axis_index("c")
        b0 = wid * BPW
        pltpu.sync_copy(pe_hbm, pe_v)
        pltpu.sync_copy(gamma_hbm, g_v)
        pltpu.sync_copy(beta_hbm, be_v)

        gj = [g_v[pl.ds(16 * j, 16)] for j in range(4)]
        bj = [be_v[pl.ds(16 * j, 16)] for j in range(4)]

        def bbody(bi, _):
            bb = b0 + bi
            pltpu.sync_copy(seqs_hbm.at[bb], idx_v)
            pltpu.sync_copy(cell_hbm.at[bb], cell_v)
            c1 = pltpu.async_copy(
                table_hbm.at[idx_v.at[pl.ds(0, 120)]],
                rows_v.at[pl.ds(0, 120)], gsem)
            c2 = pltpu.async_copy(
                table_hbm.at[idx_v.at[pl.ds(120, 80)]],
                rows_v.at[pl.ds(120, 80)], gsem)
            c1.wait()
            c2.wait()

            cj = [cell_v[pl.ds(16 * j, 16)] for j in range(4)]

            def rowbody(p, _):
                t = [rows_v[p, pl.ds(16 * j, 16)] + cj[j]
                     + pe_v[p, pl.ds(16 * j, 16)] for j in range(4)]
                s = (t[0] + t[1]) + (t[2] + t[3])
                q = (t[0] * t[0] + t[1] * t[1]) + (t[2] * t[2] + t[3] * t[3])
                mu = jnp.sum(s) * (1.0 / 64.0)
                ex2 = jnp.sum(q) * (1.0 / 64.0)
                v = (ex2 - mu * mu) + 1e-12
                i32 = lax.bitcast_convert_type(v, jnp.int32)
                i32 = jnp.int32(0x5F3759DF) - lax.shift_right_logical(i32, 1)
                y = lax.bitcast_convert_type(i32, jnp.float32)
                h = 0.5 * v
                y = y * (1.5 - h * y * y)
                y = y * (1.5 - h * y * y)
                y = y * (1.5 - h * y * y)
                for j in range(4):
                    out_v[p, pl.ds(16 * j, 16)] = (t[j] - mu) * (gj[j] * y) + bj[j]
                return 0

            lax.fori_loop(0, L, rowbody, 0)
            pltpu.sync_copy(out_v, out_hbm.at[pl.ds(pl.multiple_of(bb * L, 8), L)])
            return 0

        lax.fori_loop(0, BPW, bbody, 0)

    return k(seqs, emb_table, cell_proj, gamma, beta, pe)


def kernel(seqs, cell_emb, emb_table, W, b, gamma, beta):
    cell_proj = _cell_proj_tc(cell_emb, W, b)
    pe = jnp.asarray(_PE)
    out = _sc_embed(seqs.astype(jnp.int32), emb_table, cell_proj, gamma, beta,
                    pe)
    return (out.reshape(BATCH, L, EMB), cell_proj)

# --- scband reference (transcript-rebuilt; emitter-appended) ---
"""Pipeline reference for scband-input-seq-cell-type-embedder-with-pe-4681514352988 (READ-ONLY COPY).

The authoritative reference and input builder live on the scoring server;
editing this copy changes nothing except your own understanding.
"""

import jax, jax.numpy as jnp
import numpy as np
import math

VOCAB = 100000
EMB = 64
CELL_IN = 128
B = 4096
L = 200
MAX_LEN = 5000


def make_pe(d_model, max_len=MAX_LEN):
    position = np.arange(0, max_len, dtype=np.float32)[:, None]
    div_term = np.exp(np.arange(0, d_model, 2, dtype=np.float32) * (-math.log(10000.0) / d_model))
    pe = np.zeros((max_len, d_model), dtype=np.float32)
    pe[:, 0::2] = np.sin(position * div_term)
    pe[:, 1::2] = np.cos(position * div_term)
    return jnp.asarray(pe)


def setup_inputs(seed: int = 0) -> dict:
    key = jax.random.key(seed)
    k1, k2, k3, k4, k5 = jax.random.split(key, 5)
    seqs = jax.random.randint(k1, (B, L), 0, 99999, dtype=jnp.int64 if jax.config.read('jax_enable_x64') else jnp.int32)
    cell_emb = jax.random.normal(k2, (B, CELL_IN), dtype=jnp.float32)
    # Embedding table (padding_idx = VOCAB-1 row zeroed, as torch does at init)
    emb_table = jax.random.normal(k3, (VOCAB, EMB), dtype=jnp.float32)
    emb_table = emb_table.at[VOCAB - 1].set(0.0)
    # Linear projection cell_emb_input_size -> emb_size
    lim = 1.0 / math.sqrt(CELL_IN)
    W = jax.random.uniform(k4, (EMB, CELL_IN), minval=-lim, maxval=lim, dtype=jnp.float32)
    b = jax.random.uniform(k5, (EMB,), minval=-lim, maxval=lim, dtype=jnp.float32)
    # LayerNorm params
    gamma = jnp.ones((EMB,), dtype=jnp.float32)
    beta = jnp.zeros((EMB,), dtype=jnp.float32)
    return {"seqs": seqs, "cell_emb": cell_emb, "emb_table": emb_table, "W": W, "b": b, "gamma": gamma, "beta": beta}


def reference(seqs, cell_emb, emb_table, W, b, gamma, beta):
    # Embedding lookup (gather)
    seq_emb = jnp.take(emb_table, seqs, axis=0)  # [B, L, EMB]
    # Cell embedding projection
    cell_proj = cell_emb @ W.T + b  # [B, EMB]
    total_emb = seq_emb + cell_proj[:, None, :]
    # Positional encoding (buffer, constant)
    pe = make_pe(EMB)
    total_emb = total_emb + pe[None, :total_emb.shape[1], :]
    # LayerNorm eps=1e-12
    mu = jnp.mean(total_emb, axis=-1, keepdims=True)
    var = jnp.mean((total_emb - mu) ** 2, axis=-1, keepdims=True)
    normed = (total_emb - mu) / jnp.sqrt(var + 1e-12)
    out = normed * gamma + beta
    # Dropout is identity in eval mode
    return (out, cell_proj)

if __name__ == "__main__":
    import jax
    _d = setup_inputs()
    print(jax.jit(kernel)(*tuple(_d.values())))

</pallas_src>

<mosaic_0001>
#map = affine_map<(d0, d1) -> (0, 0)>
#map1 = affine_map<(d0, d1) -> (0)>
module attributes {stable_mosaic.version = 14 : i64} {
  func.func @k(%arg0: i32, %arg1: i32, %arg2: memref<4096x200xi32, #tpu.memory_space<hbm>>, %arg3: memref<100000x64xf32, #tpu.memory_space<hbm>>, %arg4: memref<4096x64xf32, #tpu.memory_space<hbm>>, %arg5: memref<64xf32, #tpu.memory_space<hbm>>, %arg6: memref<64xf32, #tpu.memory_space<hbm>>, %arg7: memref<200x64xf32, #tpu.memory_space<hbm>>, %arg8: memref<819200x64xf32, #tpu.memory_space<hbm>>, %arg9: memref<200xi32, #tpu.memory_space<vmem>>, %arg10: memref<64xf32, #tpu.memory_space<vmem>>, %arg11: memref<200x64xf32, #tpu.memory_space<vmem>>, %arg12: memref<64xf32, #tpu.memory_space<vmem>>, %arg13: memref<64xf32, #tpu.memory_space<vmem>>, %arg14: memref<200x64xf32, #tpu.memory_space<vmem>>, %arg15: memref<200x64xf32, #tpu.memory_space<vmem>>, %arg16: memref<!tpu.dma_semaphore, #tpu.memory_space<semaphore_mem>>) attributes {dimension_semantics = [#tpu.dimension_semantics<core_parallel>, #tpu.dimension_semantics<subcore_parallel>], iteration_bounds = array<i64: 2, 16>, scalar_prefetch = 0 : i64, scratch_operands = 8 : i64, tpu.core_type = #tpu.core_type<sc_vector_subcore>, window_params = [{transform_indices = #map}, {transform_indices = #map}, {transform_indices = #map}, {transform_indices = #map1}, {transform_indices = #map1}, {transform_indices = #map}, {transform_indices = #map}]} {
    %mul3A = arith.constant 2 : i32
    %mul3A_0 = arith.muli %arg1, %mul3A : i32
    %add3A = arith.addi %mul3A_0, %arg0 : i32
    %mul3A_1 = arith.constant 128 : i32
    %mul3A_2 = arith.muli %add3A, %mul3A_1 : i32
    "tpu.region"() ({
      %run_scoped3A = tpu.sem_alloc : memref<!tpu.dma_semaphore, #tpu.memory_space<semaphore_mem>>
      tpu.enqueue_dma source(%arg7 : memref<200x64xf32, #tpu.memory_space<hbm>>) target(%arg11 : memref<200x64xf32, #tpu.memory_space<vmem>>) target_semaphore(%run_scoped3A : memref<!tpu.dma_semaphore, #tpu.memory_space<semaphore_mem>>)
      tpu.wait_dma2 semaphore(%run_scoped3A : memref<!tpu.dma_semaphore, #tpu.memory_space<semaphore_mem>>) src(%arg7 : memref<200x64xf32, #tpu.memory_space<hbm>>) dst(%arg11 : memref<200x64xf32, #tpu.memory_space<vmem>>)
      tpu.yield
    }) : () -> ()
    "tpu.region"() ({
      %run_scoped3A = tpu.sem_alloc : memref<!tpu.dma_semaphore, #tpu.memory_space<semaphore_mem>>
      tpu.enqueue_dma source(%arg5 : memref<64xf32, #tpu.memory_space<hbm>>) target(%arg12 : memref<64xf32, #tpu.memory_space<vmem>>) target_semaphore(%run_scoped3A : memref<!tpu.dma_semaphore, #tpu.memory_space<semaphore_mem>>)
      tpu.wait_dma2 semaphore(%run_scoped3A : memref<!tpu.dma_semaphore, #tpu.memory_space<semaphore_mem>>) src(%arg5 : memref<64xf32, #tpu.memory_space<hbm>>) dst(%arg12 : memref<64xf32, #tpu.memory_space<vmem>>)
      tpu.yield
    }) : () -> ()
    "tpu.region"() ({
      %run_scoped3A = tpu.sem_alloc : memref<!tpu.dma_semaphore, #tpu.memory_space<semaphore_mem>>
      tpu.enqueue_dma source(%arg6 : memref<64xf32, #tpu.memory_space<hbm>>) target(%arg13 : memref<64xf32, #tpu.memory_space<vmem>>) target_semaphore(%run_scoped3A : memref<!tpu.dma_semaphore, #tpu.memory_space<semaphore_mem>>)
      tpu.wait_dma2 semaphore(%run_scoped3A : memref<!tpu.dma_semaphore, #tpu.memory_space<semaphore_mem>>) src(%arg6 : memref<64xf32, #tpu.memory_space<hbm>>) dst(%arg13 : memref<64xf32, #tpu.memory_space<vmem>>)
      tpu.yield
    }) : () -> ()
    %get3A = arith.constant 0 : index
    %get3A_3 = tpu.vector_load %arg12[%get3A] {strides = array<i32>} : memref<64xf32, #tpu.memory_space<vmem>>, vector<16xf32>,
    %get3A_4 = arith.constant 16 : index
    %get3A_5 = tpu.vector_load %arg12[%get3A_4] {strides = array<i32>} : memref<64xf32, #tpu.memory_space<vmem>>, vector<16xf32>,
    %get3A_6 = arith.constant 32 : index
    %get3A_7 = tpu.vector_load %arg12[%get3A_6] {strides = array<i32>} : memref<64xf32, #tpu.memory_space<vmem>>, vector<16xf32>,
    %get3A_8 = arith.constant 48 : index
    %get3A_9 = tpu.vector_load %arg12[%get3A_8] {strides = array<i32>} : memref<64xf32, #tpu.memory_space<vmem>>, vector<16xf32>,
    %get3A_10 = arith.constant 0 : index
    %get3A_11 = tpu.vector_load %arg13[%get3A_10] {strides = array<i32>} : memref<64xf32, #tpu.memory_space<vmem>>, vector<16xf32>,
    %get3A_12 = arith.constant 16 : index
    %get3A_13 = tpu.vector_load %arg13[%get3A_12] {strides = array<i32>} : memref<64xf32, #tpu.memory_space<vmem>>, vector<16xf32>,
    %get3A_14 = arith.constant 32 : index
    %get3A_15 = tpu.vector_load %arg13[%get3A_14] {strides = array<i32>} : memref<64xf32, #tpu.memory_space<vmem>>, vector<16xf32>,
    %get3A_16 = arith.constant 48 : index
    %get3A_17 = tpu.vector_load %arg13[%get3A_16] {strides = array<i32>} : memref<64xf32, #tpu.memory_space<vmem>>, vector<16xf32>,
    %scan3A = arith.constant 0 : i32
    %scan3A_18 = arith.constant 0 : i32
    %scan3A_19 = arith.constant 128 : i32
    %scan3A_20 = arith.addi %scan3A_18, %scan3A_19 : i32
    %scan3A_21 = arith.constant 1 : i32
    %scan3A_22 = scf.for %scan3A_24 = %scan3A_18 to %scan3A_20 step %scan3A_21 iter_args(%scan3A_25 = %scan3A) -> (i32)  : i32 {
      %add3A_26 = arith.addi %mul3A_2, %scan3A_24 : i32
      "tpu.region"() ({
        %run_scoped3A = tpu.sem_alloc : memref<!tpu.dma_semaphore, #tpu.memory_space<semaphore_mem>>
        %dma_start3A_75 = arith.constant 0 : i32
        %dma_start3A_76 = tpu.memref_slice %arg2[%add3A_26, %dma_start3A_75] : memref<4096x200xi32, #tpu.memory_space<hbm>> -> memref<1x200xi32, #tpu.memory_space<hbm>>
        %dma_start3A_77 = tpu.memref_squeeze %dma_start3A_76 : memref<1x200xi32, #tpu.memory_space<hbm>> -> memref<200xi32, #tpu.memory_space<hbm>>
        %dma_start3A_78 = arith.constant 0 : i32
        %dma_start3A_79 = tpu.memref_slice %arg2[%add3A_26, %dma_start3A_78] : memref<4096x200xi32, #tpu.memory_space<hbm>> -> memref<1x200xi32, #tpu.memory_space<hbm>>
        %dma_start3A_80 = tpu.memref_squeeze %dma_start3A_79 : memref<1x200xi32, #tpu.memory_space<hbm>> -> memref<200xi32, #tpu.memory_space<hbm>>
        tpu.enqueue_dma source(%dma_start3A_80 : memref<200xi32, #tpu.memory_space<hbm>>) target(%arg9 : memref<200xi32, #tpu.memory_space<vmem>>) target_semaphore(%run_scoped3A : memref<!tpu.dma_semaphore, #tpu.memory_space<semaphore_mem>>)
        %dma_wait3A_81 = arith.constant 0 : i32
        %dma_wait3A_82 = tpu.memref_slice %arg2[%add3A_26, %dma_wait3A_81] : memref<4096x200xi32, #tpu.memory_space<hbm>> -> memref<1x200xi32, #tpu.memory_space<hbm>>
        %dma_wait3A_83 = tpu.memref_squeeze %dma_wait3A_82 : memref<1x200xi32, #tpu.memory_space<hbm>> -> memref<200xi32, #tpu.memory_space<hbm>>
        %dma_wait3A_84 = arith.constant 0 : i32
        %dma_wait3A_85 = tpu.memref_slice %arg2[%add3A_26, %dma_wait3A_84] : memref<4096x200xi32, #tpu.memory_space<hbm>> -> memref<1x200xi32, #tpu.memory_space<hbm>>
        %dma_wait3A_86 = tpu.memref_squeeze %dma_wait3A_85 : memref<1x200xi32, #tpu.memory_space<hbm>> -> memref<200xi32, #tpu.memory_space<hbm>>
        tpu.wait_dma2 semaphore(%run_scoped3A : memref<!tpu.dma_semaphore, #tpu.memory_space<semaphore_mem>>) src(%dma_wait3A_86 : memref<200xi32, #tpu.memory_space<hbm>>) dst(%arg9 : memref<200xi32, #tpu.memory_space<vmem>>)
        tpu.yield
      }) : () -> ()
      "tpu.region"() ({
        %run_scoped3A = tpu.sem_alloc : memref<!tpu.dma_semaphore, #tpu.memory_space<semaphore_mem>>
        %dma_start3A_75 = arith.constant 0 : i32
        %dma_start3A_76 = tpu.memref_slice %arg4[%add3A_26, %dma_start3A_75] : memref<4096x64xf32, #tpu.memory_space<hbm>> -> memref<1x64xf32, #tpu.memory_space<hbm>>
        %dma_start3A_77 = tpu.memref_squeeze %dma_start3A_76 : memref<1x64xf32, #tpu.memory_space<hbm>> -> memref<64xf32, #tpu.memory_space<hbm>>
        %dma_start3A_78 = arith.constant 0 : i32
        %dma_start3A_79 = tpu.memref_slice %arg4[%add3A_26, %dma_start3A_78] : memref<4096x64xf32, #tpu.memory_space<hbm>> -> memref<1x64xf32, #tpu.memory_space<hbm>>
        %dma_start3A_80 = tpu.memref_squeeze %dma_start3A_79 : memref<1x64xf32, #tpu.memory_space<hbm>> -> memref<64xf32, #tpu.memory_space<hbm>>
        tpu.enqueue_dma source(%dma_start3A_80 : memref<64xf32, #tpu.memory_space<hbm>>) target(%arg10 : memref<64xf32, #tpu.memory_space<vmem>>) target_semaphore(%run_scoped3A : memref<!tpu.dma_semaphore, #tpu.memory_space<semaphore_mem>>)
        %dma_wait3A_81 = arith.constant 0 : i32
        %dma_wait3A_82 = tpu.memref_slice %arg4[%add3A_26, %dma_wait3A_81] : memref<4096x64xf32, #tpu.memory_space<hbm>> -> memref<1x64xf32, #tpu.memory_space<hbm>>
        %dma_wait3A_83 = tpu.memref_squeeze %dma_wait3A_82 : memref<1x64xf32, #tpu.memory_space<hbm>> -> memref<64xf32, #tpu.memory_space<hbm>>
        %dma_wait3A_84 = arith.constant 0 : i32
        %dma_wait3A_85 = tpu.memref_slice %arg4[%add3A_26, %dma_wait3A_84] : memref<4096x64xf32, #tpu.memory_space<hbm>> -> memref<1x64xf32, #tpu.memory_space<hbm>>
        %dma_wait3A_86 = tpu.memref_squeeze %dma_wait3A_85 : memref<1x64xf32, #tpu.memory_space<hbm>> -> memref<64xf32, #tpu.memory_space<hbm>>
        tpu.wait_dma2 semaphore(%run_scoped3A : memref<!tpu.dma_semaphore, #tpu.memory_space<semaphore_mem>>) src(%dma_wait3A_86 : memref<64xf32, #tpu.memory_space<hbm>>) dst(%arg10 : memref<64xf32, #tpu.memory_space<vmem>>)
        tpu.yield
      }) : () -> ()
      %dma_start3A = arith.constant 0 : i32
      %dma_start3A_27 = arith.constant 0 : i32
      %dma_start3A_28 = tpu.memref_slice %arg14[%dma_start3A, %dma_start3A_27] : memref<200x64xf32, #tpu.memory_space<vmem>> -> memref<120x64xf32, #tpu.memory_space<vmem>>
      %dma_start3A_29 = arith.constant 0 : i32
      %dma_start3A_30 = tpu.memref_slice %arg9[%dma_start3A_29] : memref<200xi32, #tpu.memory_space<vmem>> -> memref<120xi32, #tpu.memory_space<vmem>>
      %dma_start3A_31 = arith.constant 0 : i32
      %dma_start3A_32 = arith.constant 0 : i32
      %dma_start3A_33 = tpu.memref_slice %arg3[%dma_start3A_31, %dma_start3A_32] : memref<100000x64xf32, #tpu.memory_space<hbm>> -> memref<100000x64xf32, #tpu.memory_space<hbm>>
      tpu.enqueue_indirect_dma source(%dma_start3A_33 : memref<100000x64xf32, #tpu.memory_space<hbm>>) target(%dma_start3A_28 : memref<120x64xf32, #tpu.memory_space<vmem>>) offsets(%dma_start3A_30 : memref<120xi32, #tpu.memory_space<vmem>>) semaphore(%arg16 : memref<!tpu.dma_semaphore, #tpu.memory_space<semaphore_mem>>)
      %dma_start3A_34 = arith.constant 120 : i32
      %dma_start3A_35 = arith.constant 0 : i32
      %dma_start3A_36 = tpu.memref_slice %arg14[%dma_start3A_34, %dma_start3A_35] : memref<200x64xf32, #tpu.memory_space<vmem>> -> memref<80x64xf32, #tpu.memory_space<vmem>>
      %dma_start3A_37 = arith.constant 120 : i32
      %dma_start3A_38 = tpu.memref_slice %arg9[%dma_start3A_37] : memref<200xi32, #tpu.memory_space<vmem>> -> memref<80xi32, #tpu.memory_space<vmem>>
      %dma_start3A_39 = arith.constant 0 : i32
      %dma_start3A_40 = arith.constant 0 : i32
      %dma_start3A_41 = tpu.memref_slice %arg3[%dma_start3A_39, %dma_start3A_40] : memref<100000x64xf32, #tpu.memory_space<hbm>> -> memref<100000x64xf32, #tpu.memory_space<hbm>>
      tpu.enqueue_indirect_dma source(%dma_start3A_41 : memref<100000x64xf32, #tpu.memory_space<hbm>>) target(%dma_start3A_36 : memref<80x64xf32, #tpu.memory_space<vmem>>) offsets(%dma_start3A_38 : memref<80xi32, #tpu.memory_space<vmem>>) semaphore(%arg16 : memref<!tpu.dma_semaphore, #tpu.memory_space<semaphore_mem>>)
      %dma_wait3A = arith.constant 0 : i32
      %dma_wait3A_42 = arith.constant 0 : i32
      %dma_wait3A_43 = tpu.memref_slice %arg14[%dma_wait3A, %dma_wait3A_42] : memref<200x64xf32, #tpu.memory_space<vmem>> -> memref<120x64xf32, #tpu.memory_space<vmem>>
      %dma_wait3A_44 = arith.constant 0 : i32
      %dma_wait3A_45 = tpu.memref_slice %arg9[%dma_wait3A_44] : memref<200xi32, #tpu.memory_space<vmem>> -> memref<120xi32, #tpu.memory_space<vmem>>
      %dma_wait3A_46 = arith.constant 0 : i32
      %dma_wait3A_47 = arith.constant 0 : i32
      %dma_wait3A_48 = tpu.memref_slice %arg3[%dma_wait3A_46, %dma_wait3A_47] : memref<100000x64xf32, #tpu.memory_space<hbm>> -> memref<100000x64xf32, #tpu.memory_space<hbm>>
      tpu.wait_indirect_dma semaphore(%arg16 : memref<!tpu.dma_semaphore, #tpu.memory_space<semaphore_mem>>) src(%dma_wait3A_48 : memref<100000x64xf32, #tpu.memory_space<hbm>>) dst(%dma_wait3A_43 : memref<120x64xf32, #tpu.memory_space<vmem>>)
      %dma_wait3A_49 = arith.constant 120 : i32
      %dma_wait3A_50 = arith.constant 0 : i32
      %dma_wait3A_51 = tpu.memref_slice %arg14[%dma_wait3A_49, %dma_wait3A_50] : memref<200x64xf32, #tpu.memory_space<vmem>> -> memref<80x64xf32, #tpu.memory_space<vmem>>
      %dma_wait3A_52 = arith.constant 120 : i32
      %dma_wait3A_53 = tpu.memref_slice %arg9[%dma_wait3A_52] : memref<200xi32, #tpu.memory_space<vmem>> -> memref<80xi32, #tpu.memory_space<vmem>>
      %dma_wait3A_54 = arith.constant 0 : i32
      %dma_wait3A_55 = arith.constant 0 : i32
      %dma_wait3A_56 = tpu.memref_slice %arg3[%dma_wait3A_54, %dma_wait3A_55] : memref<100000x64xf32, #tpu.memory_space<hbm>> -> memref<100000x64xf32, #tpu.memory_space<hbm>>
      tpu.wait_indirect_dma semaphore(%arg16 : memref<!tpu.dma_semaphore, #tpu.memory_space<semaphore_mem>>) src(%dma_wait3A_56 : memref<100000x64xf32, #tpu.memory_space<hbm>>) dst(%dma_wait3A_51 : memref<80x64xf32, #tpu.memory_space<vmem>>)
      %get3A_57 = arith.constant 0 : index
      %get3A_58 = tpu.vector_load %arg10[%get3A_57] {strides = array<i32>} : memref<64xf32, #tpu.memory_space<vmem>>, vector<16xf32>,
      %get3A_59 = arith.constant 16 : index
      %get3A_60 = tpu.vector_load %arg10[%get3A_59] {strides = array<i32>} : memref<64xf32, #tpu.memory_space<vmem>>, vector<16xf32>,
      %get3A_61 = arith.constant 32 : index
      %get3A_62 = tpu.vector_load %arg10[%get3A_61] {strides = array<i32>} : memref<64xf32, #tpu.memory_space<vmem>>, vector<16xf32>,
      %get3A_63 = arith.constant 48 : index
      %get3A_64 = tpu.vector_load %arg10[%get3A_63] {strides = array<i32>} : memref<64xf32, #tpu.memory_space<vmem>>, vector<16xf32>,
      %scan3A_65 = arith.constant 0 : i32
      %scan3A_66 = arith.constant 0 : i32
      %scan3A_67 = arith.constant 200 : i32
      %scan3A_68 = arith.addi %scan3A_66, %scan3A_67 : i32
      %scan3A_69 = arith.constant 1 : i32
      %scan3A_70 = scf.for %scan3A_75 = %scan3A_66 to %scan3A_68 step %scan3A_69 iter_args(%scan3A_76 = %scan3A_65) -> (i32)  : i32 {
        %get3A_77 = arith.index_cast %scan3A_75 : i32 to index
        %get3A_78 = arith.constant 0 : index
        %get3A_79 = tpu.vector_load %arg14[%get3A_77, %get3A_78] {strides = array<i32>} : memref<200x64xf32, #tpu.memory_space<vmem>>, vector<16xf32>,
        %add3A_80 = arith.addf %get3A_79, %get3A_58 : vector<16xf32>
        %get3A_81 = arith.index_cast %scan3A_75 : i32 to index
        %get3A_82 = arith.constant 0 : index
        %get3A_83 = tpu.vector_load %arg11[%get3A_81, %get3A_82] {strides = array<i32>} : memref<200x64xf32, #tpu.memory_space<vmem>>, vector<16xf32>,
        %add3A_84 = arith.addf %add3A_80, %get3A_83 : vector<16xf32>
        %get3A_85 = arith.index_cast %scan3A_75 : i32 to index
        %get3A_86 = arith.constant 16 : index
        %get3A_87 = tpu.vector_load %arg14[%get3A_85, %get3A_86] {strides = array<i32>} : memref<200x64xf32, #tpu.memory_space<vmem>>, vector<16xf32>,
        %add3A_88 = arith.addf %get3A_87, %get3A_60 : vector<16xf32>
        %get3A_89 = arith.index_cast %scan3A_75 : i32 to index
        %get3A_90 = arith.constant 16 : index
        %get3A_91 = tpu.vector_load %arg11[%get3A_89, %get3A_90] {strides = array<i32>} : memref<200x64xf32, #tpu.memory_space<vmem>>, vector<16xf32>,
        %add3A_92 = arith.addf %add3A_88, %get3A_91 : vector<16xf32>
        %get3A_93 = arith.index_cast %scan3A_75 : i32 to index
        %get3A_94 = arith.constant 32 : index
        %get3A_95 = tpu.vector_load %arg14[%get3A_93, %get3A_94] {strides = array<i32>} : memref<200x64xf32, #tpu.memory_space<vmem>>, vector<16xf32>,
        %add3A_96 = arith.addf %get3A_95, %get3A_62 : vector<16xf32>
        %get3A_97 = arith.index_cast %scan3A_75 : i32 to index
        %get3A_98 = arith.constant 32 : index
        %get3A_99 = tpu.vector_load %arg11[%get3A_97, %get3A_98] {strides = array<i32>} : memref<200x64xf32, #tpu.memory_space<vmem>>, vector<16xf32>,
        %add3A_100 = arith.addf %add3A_96, %get3A_99 : vector<16xf32>
        %get3A_101 = arith.index_cast %scan3A_75 : i32 to index
        %get3A_102 = arith.constant 48 : index
        %get3A_103 = tpu.vector_load %arg14[%get3A_101, %get3A_102] {strides = array<i32>} : memref<200x64xf32, #tpu.memory_space<vmem>>, vector<16xf32>,
        %add3A_104 = arith.addf %get3A_103, %get3A_64 : vector<16xf32>
        %get3A_105 = arith.index_cast %scan3A_75 : i32 to index
        %get3A_106 = arith.constant 48 : index
        %get3A_107 = tpu.vector_load %arg11[%get3A_105, %get3A_106] {strides = array<i32>} : memref<200x64xf32, #tpu.memory_space<vmem>>, vector<16xf32>,
        %add3A_108 = arith.addf %add3A_104, %get3A_107 : vector<16xf32>
        %add3A_109 = arith.addf %add3A_84, %add3A_92 : vector<16xf32>
        %add3A_110 = arith.addf %add3A_100, %add3A_108 : vector<16xf32>
        %add3A_111 = arith.addf %add3A_109, %add3A_110 : vector<16xf32>
        %mul3A_112 = arith.mulf %add3A_84, %add3A_84 : vector<16xf32>
        %mul3A_113 = arith.mulf %add3A_92, %add3A_92 : vector<16xf32>
        %add3A_114 = arith.addf %mul3A_112, %mul3A_113 : vector<16xf32>
        %mul3A_115 = arith.mulf %add3A_100, %add3A_100 : vector<16xf32>
        %mul3A_116 = arith.mulf %add3A_108, %add3A_108 : vector<16xf32>
        %add3A_117 = arith.addf %mul3A_115, %mul3A_116 : vector<16xf32>
        %add3A_118 = arith.addf %add3A_114, %add3A_117 : vector<16xf32>
        %reduce_sum3A = arith.constant true
        %reduce_sum3A_119 = vector.broadcast %reduce_sum3A : i1 to vector<16xi1>
        %reduce_sum3A_120 = tpu.scan <sum>, %add3A_111 masked %reduce_sum3A_119 : vector<16xf32>, vector<16xi1> -> vector<16xf32>
        %reduce_sum3A_121 = vector.extract %reduce_sum3A_120[15] : f32 from vector<16xf32>
        %mul3A_122 = arith.constant 1.562500e-02 : f32
        %mul3A_123 = arith.mulf %reduce_sum3A_121, %mul3A_122 : f32
        %reduce_sum3A_124 = arith.constant true
        %reduce_sum3A_125 = vector.broadcast %reduce_sum3A_124 : i1 to vector<16xi1>
        %reduce_sum3A_126 = tpu.scan <sum>, %add3A_118 masked %reduce_sum3A_125 : vector<16xf32>, vector<16xi1> -> vector<16xf32>
        %reduce_sum3A_127 = vector.extract %reduce_sum3A_126[15] : f32 from vector<16xf32>
        %mul3A_128 = arith.constant 1.562500e-02 : f32
        %mul3A_129 = arith.mulf %reduce_sum3A_127, %mul3A_128 : f32
        %mul3A_130 = arith.mulf %mul3A_123, %mul3A_123 : f32
        %sub3A = arith.subf %mul3A_129, %mul3A_130 : f32
        %add3A_131 = arith.constant 9.99999996E-13 : f32
        %add3A_132 = arith.addf %sub3A, %add3A_131 : f32
        %bitcast_convert_type3A = arith.bitcast %add3A_132 : f32 to i32
        %shift_right_logical3A = arith.constant 1 : i32
        %shift_right_logical3A_133 = arith.shrui %bitcast_convert_type3A, %shift_right_logical3A : i32
        %sub3A_134 = arith.constant 1597463007 : i32
        %sub3A_135 = arith.subi %sub3A_134, %shift_right_logical3A_133 : i32
        %bitcast_convert_type3A_136 = arith.bitcast %sub3A_135 : i32 to f32
        %mul3A_137 = arith.constant 5.000000e-01 : f32
        %mul3A_138 = arith.mulf %mul3A_137, %add3A_132 : f32
        %mul3A_139 = arith.mulf %mul3A_138, %bitcast_convert_type3A_136 : f32
        %mul3A_140 = arith.mulf %mul3A_139, %bitcast_convert_type3A_136 : f32
        %sub3A_141 = arith.constant 1.500000e+00 : f32
        %sub3A_142 = arith.subf %sub3A_141, %mul3A_140 : f32
        %mul3A_143 = arith.mulf %bitcast_convert_type3A_136, %sub3A_142 : f32
        %mul3A_144 = arith.mulf %mul3A_138, %mul3A_143 : f32
        %mul3A_145 = arith.mulf %mul3A_144, %mul3A_143 : f32
        %sub3A_146 = arith.constant 1.500000e+00 : f32
        %sub3A_147 = arith.subf %sub3A_146, %mul3A_145 : f32
        %mul3A_148 = arith.mulf %mul3A_143, %sub3A_147 : f32
        %mul3A_149 = arith.mulf %mul3A_138, %mul3A_148 : f32
        %mul3A_150 = arith.mulf %mul3A_149, %mul3A_148 : f32
        %sub3A_151 = arith.constant 1.500000e+00 : f32
        %sub3A_152 = arith.subf %sub3A_151, %mul3A_150 : f32
        %mul3A_153 = arith.mulf %mul3A_148, %sub3A_152 : f32
        %sub3A_154 = vector.broadcast %mul3A_123 : f32 to vector<16xf32>
        %sub3A_155 = arith.subf %add3A_84, %sub3A_154 : vector<16xf32>
        %mul3A_156 = vector.broadcast %mul3A_153 : f32 to vector<16xf32>
        %mul3A_157 = arith.mulf %get3A_3, %mul3A_156 : vector<16xf32>
        %mul3A_158 = arith.mulf %sub3A_155, %mul3A_157 : vector<16xf32>
        %add3A_159 = arith.addf %mul3A_158, %get3A_11 : vector<16xf32>
        %swap3A = arith.index_cast %scan3A_75 : i32 to index
        %swap3A_160 = arith.constant 0 : index
        %swap3A_161 = tpu.vector_load %arg15[%swap3A, %swap3A_160] {strides = array<i32>} : memref<200x64xf32, #tpu.memory_space<vmem>>, vector<16xf32>,
        tpu.vector_store %arg15[%swap3A, %swap3A_160], %add3A_159 {strides = array<i32>} : memref<200x64xf32, #tpu.memory_space<vmem>>, vector<16xf32>,
        %sub3A_162 = vector.broadcast %mul3A_123 : f32 to vector<16xf32>
        %sub3A_163 = arith.subf %add3A_92, %sub3A_162 : vector<16xf32>
        %mul3A_164 = vector.broadcast %mul3A_153 : f32 to vector<16xf32>
        %mul3A_165 = arith.mulf %get3A_5, %mul3A_164 : vector<16xf32>
        %mul3A_166 = arith.mulf %sub3A_163, %mul3A_165 : vector<16xf32>
        %add3A_167 = arith.addf %mul3A_166, %get3A_13 : vector<16xf32>
        %swap3A_168 = arith.index_cast %scan3A_75 : i32 to index
        %swap3A_169 = arith.constant 16 : index
        %swap3A_170 = tpu.vector_load %arg15[%swap3A_168, %swap3A_169] {strides = array<i32>} : memref<200x64xf32, #tpu.memory_space<vmem>>, vector<16xf32>,
        tpu.vector_store %arg15[%swap3A_168, %swap3A_169], %add3A_167 {strides = array<i32>} : memref<200x64xf32, #tpu.memory_space<vmem>>, vector<16xf32>,
        %sub3A_171 = vector.broadcast %mul3A_123 : f32 to vector<16xf32>
        %sub3A_172 = arith.subf %add3A_100, %sub3A_171 : vector<16xf32>
        %mul3A_173 = vector.broadcast %mul3A_153 : f32 to vector<16xf32>
        %mul3A_174 = arith.mulf %get3A_7, %mul3A_173 : vector<16xf32>
        %mul3A_175 = arith.mulf %sub3A_172, %mul3A_174 : vector<16xf32>
        %add3A_176 = arith.addf %mul3A_175, %get3A_15 : vector<16xf32>
        %swap3A_177 = arith.index_cast %scan3A_75 : i32 to index
        %swap3A_178 = arith.constant 32 : index
        %swap3A_179 = tpu.vector_load %arg15[%swap3A_177, %swap3A_178] {strides = array<i32>} : memref<200x64xf32, #tpu.memory_space<vmem>>, vector<16xf32>,
        tpu.vector_store %arg15[%swap3A_177, %swap3A_178], %add3A_176 {strides = array<i32>} : memref<200x64xf32, #tpu.memory_space<vmem>>, vector<16xf32>,
        %sub3A_180 = vector.broadcast %mul3A_123 : f32 to vector<16xf32>
        %sub3A_181 = arith.subf %add3A_108, %sub3A_180 : vector<16xf32>
        %mul3A_182 = vector.broadcast %mul3A_153 : f32 to vector<16xf32>
        %mul3A_183 = arith.mulf %get3A_9, %mul3A_182 : vector<16xf32>
        %mul3A_184 = arith.mulf %sub3A_181, %mul3A_183 : vector<16xf32>
        %add3A_185 = arith.addf %mul3A_184, %get3A_17 : vector<16xf32>
        %swap3A_186 = arith.index_cast %scan3A_75 : i32 to index
        %swap3A_187 = arith.constant 48 : index
        %swap3A_188 = tpu.vector_load %arg15[%swap3A_186, %swap3A_187] {strides = array<i32>} : memref<200x64xf32, #tpu.memory_space<vmem>>, vector<16xf32>,
        tpu.vector_store %arg15[%swap3A_186, %swap3A_187], %add3A_185 {strides = array<i32>} : memref<200x64xf32, #tpu.memory_space<vmem>>, vector<16xf32>,
        %scan3A_189 = arith.constant 0 : i32
        scf.yield %scan3A_189 : i32
      }
      %scan3A_71 = arith.constant 200 : i32
      %mul3A_72 = arith.constant 200 : i32
      %mul3A_73 = arith.muli %add3A_26, %mul3A_72 : i32
      %multiple_of3A = tpu.assume_multiple %mul3A_73, 8 : i32
      "tpu.region"() ({
        %run_scoped3A = tpu.sem_alloc : memref<!tpu.dma_semaphore, #tpu.memory_space<semaphore_mem>>
        %dma_start3A_75 = arith.constant 0 : i32
        %dma_start3A_76 = tpu.memref_slice %arg8[%multiple_of3A, %dma_start3A_75] : memref<819200x64xf32, #tpu.memory_space<hbm>> -> memref<200x64xf32, #tpu.memory_space<hbm>>
        %dma_start3A_77 = arith.constant 0 : i32
        %dma_start3A_78 = tpu.memref_slice %arg8[%multiple_of3A, %dma_start3A_77] : memref<819200x64xf32, #tpu.memory_space<hbm>> -> memref<200x64xf32, #tpu.memory_space<hbm>>
        tpu.enqueue_dma source(%arg15 : memref<200x64xf32, #tpu.memory_space<vmem>>) target(%dma_start3A_78 : memref<200x64xf32, #tpu.memory_space<hbm>>) target_semaphore(%run_scoped3A : memref<!tpu.dma_semaphore, #tpu.memory_space<semaphore_mem>>)
        %dma_wait3A_79 = arith.constant 0 : i32
        %dma_wait3A_80 = tpu.memref_slice %arg8[%multiple_of3A, %dma_wait3A_79] : memref<819200x64xf32, #tpu.memory_space<hbm>> -> memref<200x64xf32, #tpu.memory_space<hbm>>
        %dma_wait3A_81 = arith.constant 0 : i32
        %dma_wait3A_82 = tpu.memref_slice %arg8[%multiple_of3A, %dma_wait3A_81] : memref<819200x64xf32, #tpu.memory_space<hbm>> -> memref<200x64xf32, #tpu.memory_space<hbm>>
        tpu.wait_dma2 semaphore(%run_scoped3A : memref<!tpu.dma_semaphore, #tpu.memory_space<semaphore_mem>>) src(%arg15 : memref<200x64xf32, #tpu.memory_space<vmem>>) dst(%dma_wait3A_82 : memref<200x64xf32, #tpu.memory_space<hbm>>)
        tpu.yield
      }) : () -> ()
      %scan3A_74 = arith.constant 0 : i32
      scf.yield %scan3A_74 : i32
    }
    %scan3A_23 = arith.constant 128 : i32
    return
  }
}

module attributes {stable_mosaic.version = 14 : i64} {
  func.func @body(%arg0: i32, %arg1: memref<512x128xf32, #tpu.memory_space<vmem>>, %arg2: memref<64x128xf32, #tpu.memory_space<vmem>>, %arg3: memref<1x64xf32, #tpu.memory_space<vmem>>, %arg4: memref<512x64xf32, #tpu.memory_space<vmem>>) attributes {dimension_semantics = [#tpu.dimension_semantics<arbitrary>], iteration_bounds = array<i64: 8>, scalar_prefetch = 0 : i64, scratch_operands = 0 : i64, tpu.core_type = #tpu.core_type<tc>, window_params = [{transform_indices = @transform_0, window_bounds = array<i64: 512, 128>}, {pipeline_mode = #tpu.pipeline_mode<synchronous>, transform_indices = @transform_1, window_bounds = array<i64: 64, 128>}, {pipeline_mode = #tpu.pipeline_mode<synchronous>, transform_indices = @transform_2, window_bounds = array<i64: 1, 64>}, {transform_indices = @transform_3, window_bounds = array<i64: 512, 64>}]} {
    %get3A = arith.constant 0 : index
    %get3A_0 = arith.constant 0 : index
    %get3A_1 = vector.load %arg1[%get3A, %get3A_0] : memref<512x128xf32, #tpu.memory_space<vmem>>, vector<512x128xf32>
    %get3A_2 = arith.constant 0 : index
    %get3A_3 = arith.constant 0 : index
    %get3A_4 = vector.load %arg2[%get3A_2, %get3A_3] : memref<64x128xf32, #tpu.memory_space<vmem>>, vector<64x128xf32>
    %transpose3A = tpu.transpose %get3A_4, [1, 0] : vector<64x128xf32> -> vector<128x64xf32>
    %dot_general3A = arith.constant dense<0.000000e+00> : vector<512x64xf32>
    %dot_general3A_5 = tpu.matmul %get3A_1, %transpose3A, %dot_general3A {dimension_numbers = #tpu.dot_dimension_numbers<[1], [0], [0], [1], [0, 0, 1, 1], [], []>, transpose_lhs_hint = false} : vector<512x128xf32>, vector<128x64xf32>, vector<512x64xf32> -> vector<512x64xf32>
    %get3A_6 = arith.constant 0 : index
    %get3A_7 = arith.constant 0 : index
    %get3A_8 = vector.load %arg3[%get3A_6, %get3A_7] : memref<1x64xf32, #tpu.memory_space<vmem>>, vector<1x64xf32>
    %add3A = vector.broadcast %get3A_8 : vector<1x64xf32> to vector<512x64xf32>
    %add3A_9 = arith.addf %dot_general3A_5, %add3A : vector<512x64xf32>
    %swap3A = arith.constant 0 : index
    %swap3A_10 = arith.constant 0 : index
    %swap3A_11 = vector.load %arg4[%swap3A, %swap3A_10] : memref<512x64xf32, #tpu.memory_space<vmem>>, vector<512x64xf32>
    tpu.vector_store %arg4[%swap3A, %swap3A_10], %add3A_9 {strides = array<i32>} : memref<512x64xf32, #tpu.memory_space<vmem>>, vector<512x64xf32>,
    return
  }
  func.func @transform_0(%arg0: i32) -> (i32, i32) {
    %c0_i32 = arith.constant 0 : i32
    %c0_i32_0 = arith.constant 0 : i32
    return %arg0, %c0_i32 : i32, i32
  }
  func.func @transform_1(%arg0: i32) -> (i32, i32) {
    %c0_i32 = arith.constant 0 : i32
    %c0_i32_0 = arith.constant 0 : i32
    %c0_i32_1 = arith.constant 0 : i32
    return %c0_i32, %c0_i32_0 : i32, i32
  }
  func.func @transform_2(%arg0: i32) -> (i32, i32) {
    %c0_i32 = arith.constant 0 : i32
    %c0_i32_0 = arith.constant 0 : i32
    %c0_i32_1 = arith.constant 0 : i32
    return %c0_i32, %c0_i32_0 : i32, i32
  }
  func.func @transform_3(%arg0: i32) -> (i32, i32) {
    %c0_i32 = arith.constant 0 : i32
    %c0_i32_0 = arith.constant 0 : i32
    return %arg0, %c0_i32 : i32, i32
  }
}

</mosaic_0001>

<sc_bundles>
// kernel: kernel.4.cloned.1.call-start
scs
__scs_entry_jumppad:
0x0: {  	(pc) =	sbr.rel $0x88, $3  }
0x1: {  	(tag) =	ssettag $0x0;
	lr =	simm.s32 $0x1  }
0x2: {  	[smem:$0x3F9A] =	sst lr;
	_ =	strace $0xD0000000  }
0x3: {  	_ = 	snop  }
0x4: {  	_ = 	snop  }
0x5: {  	_ = 	snop  }
0x6: {  	_ = 	snop  }
0x7: {  	_ = 	snop  }
__scs_overlays_trampoline_lowered:
0x8: {  	[smem:$0x3FA9] =	sst s0  }
0x9: {  	[smem:$0x3FAA] =	sst s1  }
0xa: {  	[smem:$0x3FAB] =	sst s2  }
0xb: {  	[smem:$0x3FAC] =	sst s3  }
0xc: {  	[smem:$0x3FAD] =	sst s4  }
0xd: {  	[smem:$0x3FAE] =	sst s5  }
0xe: {  	[smem:$0x3FAF] =	sst s6  }
0xf: {  	[smem:$0x3FB0] =	sst s7  }
0x10: {  	[smem:$0x3FB1] =	sst s8  }
0x11: {  	[smem:$0x3FB2] =	sst s9;
	s0 =	simm.s32 @!p0 $0x0  }
0x12: {  	s1 =	sld [smem:$0x3F98];
	s0 =	simm.s32 @p0 $0x1  }
0x13: {  	[smem:$0x3FB3] =	sst s0;
	s0 =	simm.s32 @!p1 $0x0  }
0x14: {  	s2 =	sld [smem:$0x3F97];
	s0 =	simm.s32 @p1 $0x1  }
0x15: {  	[smem:$0x3FB4] =	sst s0;
	s0 =	simm.s32 @!p2 $0x0  }
0x16: {  	s3 =	sld [smem:$0x3FDB];
	s0 =	simm.s32 @p2 $0x1  }
0x17: {  	s4 =	simm.s32 $0x1BF5;
	[smem:$0x3FB6] =	sst s0  }
0x18: {  	s0 =	sld [smem:$0x3F99];
	_ =	swait.ge [sflag:s4], $0x0  }
0x19: {  	s7 =	sld [smem:$0x3F9A]  }
0x1a: {  	s8 =	sadd.s32 $0xFFFFE003, lr  }
0x1b: {  	s9 =	sadd.s32 $0xFFFFFEF7, lr;
	s5 =	simm.s32 $0xFFFFFFFF;
	p2 =	slt.u32 s8, $0xFFFFF086  }
0x1c: {  	p1 =	slt.u32 s9, $0xF7A;
	s5 =	simm.s32 @!p2 $0x0  }
0x1d: {  	s5 =	simm.s32 @p1 $0x1;
	p0 =	seq.s32 s7, s2  }
0x1e: {  	s7 =	smul.u32 @!p0 $0xF7A, s2;
	p2 =	seq.s32 @!p0 s5, $0x0  }
0x1f: {  	s9 =	smul.u32 $0xF7A, s1;
	s8 =	simm.s32 @!p0 $0x1BF5;
	p2 =	por !p2, p0  }
0x20: {  	[sflag:s8] =	ssyncset.s32 @!p0 $0xFFFFF086;
	s6 =	sadd.s32 @!p0 s3, s7;
	s7 =	simm.s32 @!p0 $0x108  }
0x21: {  	s3 =	sadd.s32 s3, s9;
	s6 =	sadd.s32 @!p0 $0x88, s6;
	s7 =	simm.s32 @p2 $0x1082  }
0x22: {  	[simem:s7], [sflag:s8] =	dma.local @!p0 [hbm:s6], $0xF7A  }
0x23: {  	s9 =	sor.u32 $0xD0000000, s2;
	s6 =	simm.s32 $0x108;
	_ =	swait.ge @!p0 [sflag:s8], $0x0  }
0x24: {  	s3 =	sadd.s32 $0x88, s3;
	s6 =	simm.s32 @!p1 $0x1082;
	[sflag:s4] =	ssyncset.s32 $0xFFFFF086  }
0x25: {  	[simem:s6], [sflag:s4] =	dma.local [hbm:s3], $0xF7A  }
0x26: {  	[smem:$0x3F9A] =	sst s1;
	(tag) =	ssettag s2;
	_ =	strace s9  }
0x27: {  	s1 =	sld [smem:$0x3FAA]  }
0x28: {  	s2 =	sld [smem:$0x3FAB]  }
0x29: {  	s4 =	sld [smem:$0x3FAD]  }
0x2a: {  	p0 =	seq.s32 s5, $0x0;
	s5 =	sld [smem:$0x3FAE]  }
0x2b: {  	s6 =	sld [smem:$0x3FAF]  }
0x2c: {  	s7 =	sld [smem:$0x3FB0]  }
0x2d: {  	s3 =	simm.s32 $0x108;
	s8 =	sld [smem:$0x3FB1]  }
0x2e: {  	s3 =	simm.s32 @!p0 $0x1082;
	s9 =	sld [smem:$0x3FB2]  }
0x2f: {  	lr =	sadd.s32 s0, s3;
	s0 =	sld [smem:$0x3FA9]  }
0x30: {  	s3 =	sld [smem:$0x3FAC]  }
0x31: {  	[smem:$0x3FB5] =	sst s10  }
0x32: {  	s10 =	sld [smem:$0x3FB3];
	_ =	sdelay $0x3  }
0x33: {  	p0 =	seq.s32 s10, $0x1;
	s10 =	sld [smem:$0x3FB5];
	_ =	sdelay $0x3  }
0x34: {  	[smem:$0x3FB5] =	sst s10  }
0x35: {  	s10 =	sld [smem:$0x3FB4];
	_ =	sdelay $0x3  }
0x36: {  	p1 =	seq.s32 s10, $0x1;
	s10 =	sld [smem:$0x3FB5];
	_ =	sdelay $0x3  }
0x37: {  	[smem:$0x3FB5] =	sst s10  }
0x38: {  	s10 =	sld [smem:$0x3FB6]  }
0x39: {  	_ = 	snop;
	(pc) =	sbr.ind lr, $3  }
0x3a: {  	_ = 	snop  }
0x3b: {  	_ = 	snop  }
0x3c: {  	p2 =	seq.s32 s10, $0x1;
	s10 =	sld [smem:$0x3FB5]  }
0x3d: {  	_ =	shalt  }
0x3e: {  	_ =	shalt  }
0x3f: {  	_ =	shalt  }
0x40: {  	_ =	shalt  }
0x41: {  	_ =	shalt  }
0x42: {  	_ =	shalt  }
0x43: {  	_ =	shalt  }
0x44: {  	_ =	shalt  }
0x45: {  	_ =	shalt  }
0x46: {  	_ =	shalt  }
0x47: {  	_ =	shalt  }
0x48: {  	_ =	shalt  }
0x49: {  	_ =	shalt  }
0x4a: {  	_ =	shalt  }
0x4b: {  	_ =	shalt  }
0x4c: {  	_ =	shalt  }
0x4d: {  	_ =	shalt  }
0x4e: {  	_ =	shalt  }
0x4f: {  	_ =	shalt  }
0x50: {  	_ =	shalt  }
0x51: {  	_ =	shalt  }
0x52: {  	_ =	shalt  }
0x53: {  	_ =	shalt  }
0x54: {  	_ =	shalt  }
0x55: {  	_ =	shalt  }
0x56: {  	_ =	shalt  }
0x57: {  	_ =	shalt  }
0x58: {  	_ =	shalt  }
0x59: {  	_ =	shalt  }
0x5a: {  	_ =	shalt  }
0x5b: {  	_ =	shalt  }
0x5c: {  	_ =	shalt  }
0x5d: {  	_ =	shalt  }
0x5e: {  	_ =	shalt  }
0x5f: {  	_ =	shalt  }
0x60: {  	_ =	shalt  }
0x61: {  	_ =	shalt  }
0x62: {  	_ =	shalt  }
0x63: {  	_ =	shalt  }
0x64: {  	_ =	shalt  }
0x65: {  	_ =	shalt  }
0x66: {  	_ =	shalt  }
0x67: {  	_ =	shalt  }
0x68: {  	_ =	shalt  }
0x69: {  	_ =	shalt  }
0x6a: {  	_ =	shalt  }
0x6b: {  	_ =	shalt  }
0x6c: {  	_ =	shalt  }
0x6d: {  	_ =	shalt  }
0x6e: {  	_ =	shalt  }
0x6f: {  	_ =	shalt  }
0x70: {  	_ =	shalt  }
0x71: {  	_ =	shalt  }
0x72: {  	_ =	shalt  }
0x73: {  	_ =	shalt  }
0x74: {  	_ =	shalt  }
0x75: {  	_ =	shalt  }
0x76: {  	_ =	shalt  }
0x77: {  	_ =	shalt  }
0x78: {  	_ =	shalt  }
0x79: {  	_ =	shalt  }
0x7a: {  	_ =	shalt  }
0x7b: {  	_ =	shalt  }
0x7c: {  	_ =	shalt  }
0x7d: {  	_ =	shalt  }
0x7e: {  	_ =	shalt  }
0x7f: {  	_ =	shalt  }
0x80: {  	_ =	shalt  }
0x81: {  	_ =	shalt  }
0x82: {  	_ =	shalt  }
0x83: {  	_ =	shalt  }
0x84: {  	_ =	shalt  }
0x85: {  	_ =	shalt  }
0x86: {  	_ =	shalt  }
0x87: {  	_ =	shalt  }
.Lfunc_end0:
.L_simem_size_0:
called_computation.1_lowered:
.L_overlay_start_0:
0x88: {  	s2 =	sld [smem:$0x3FD9]  }
0x89: {  	s3 =	sld [smem:$0x3FFE];
	_ =	sdelay $0x1  }
0x8a: {  	s1 =	srdreg.scid  }
0x8b: {  	s0 =	sand.u32 $0x1, s1  }
0x8c: {  	s14 =	sshll.u32 s0, $0xA;
	s2 =	sadd.s32 s3, s2  }
0x8d: {  	s2 =	sadd.s32 s2, s14  }
0x8e: {  	[smem:$0x3FC1] =	sst s2  }
0x8f: {  	_ = 	snop  }
0x90: {  	s2 =	sld [smem:$0x3FD0];
	_ =	sdelay $0x1  }
0x91: {  	s15 =	sld [smem:$0x3FC4]  }
0x92: {  	s5 =	simm.s32 $0xA;
	s6 =	simm.s32 $0x10;
	s4 =	sld [smem:$0x3FC3]  }
0x93: {  	[smem:s6], [sflag:s5] =	dma.local [hbm:s2], $0x1  }
0x94: {  	_ =	swait.eq [sflag:s5], $0x1  }
0x95: {  	[sflag:s5] =	ssyncset.done $0x0  }
0x96: {  	s16 =	sld [smem:$0x10];
	[sflag:s5] =	ssyncadd.s32 $0xFFFFFFFF  }
0x97: {  	s17 =	sld [smem:$0x11];
	(tm) =	ssettm $0x1  }
0x98: {  	s18 =	sld [smem:$0x3FFB];
	_ =	sdelay $0x3  }
0x99: {  	_ =	strace s18  }
0x9a: {  	s6 =	sld [smem:$0x3FFC];
	_ =	sdelay $0x3  }
0x9b: {  	_ =	strace s6  }
0x9c: {  	s6 =	sld [smem:$0x3FFD];
	_ =	sdelay $0x3  }
0x9d: {  	_ =	strace s6  }
0x9e: {  	_ =	strace $0x8FFFFFFF  }
0x9f: {  	s19 =	sld [smem:$0x3FDB];
	_ =	sdelay $0x1  }
0xa0: {  	s7 =	simm.s32 $_scs_section_size  }
0xa1: {  	s8 =	simm.s32 $_size__tile_overlayer_lowered;
	s9 =	simm.s32 $_tile_overlayer_lowered  }
0xa2: {  	s22 =	simm.s32 $0x1BFF;
	s21 =	sshll.u32 s9, $0x1;
	s6 =	sadd.s32 s7, s19  }
0xa3: {  	s10 =	simm.s32 $0x0;
	s20 =	sshll.u32 s8, $0x1;
	s8 =	sadd.s32 s21, s6  }
0xa4: {  	[timem:s10], [sflag:s22] =	dma.local [hbm:s8], s20  }
0xa5: {  	_ =	swait.ge [sflag:s22], s20  }
0xa6: {  	s7 =	ssub.s32 $0x0, s20;
	[sflag:s22] =	ssyncset.done $0x0  }
0xa7: {  	[sflag:s22] =	ssyncadd.s32 s7;
	_ =	sdelay $0x1  }
0xa8: {  	s23 =	simm.s32 $0x1B8B  }
0xa9: {  	_ =	swait.ge [sflag:s23], $0x1  }
0xaa: {  	[sflag:s23] =	ssyncset.done $0x0  }
0xab: {  	s25 =	simm.s32 $0x1B8E;
	s24 =	sld [smem:$0x3FFE];
	[sflag:s23] =	ssyncadd.s32 $0xFFFFFFFF  }
0xac: {  	s26 =	simm.s32 $execute0_lowered;
	[smem:$0x3FD2] =	sst s25  }
0xad: {  	s8 =	sshll.u32 s26, $0x1;
	_ =	strace $0x80000046;
	[dreg:$0x1] =	wrdreg $0xFFFFFFFF  }
0xae: {  	s28 =	simm.s32 $_size_execute0_lowered;
	s6 =	sadd.s32 s6, s8;
	[dreg:$0x0] =	wrdreg $0x0  }
0xaf: {  	s8 =	sshll.u32 s28, $0x1;
	[dreg:$0x2] =	wrdreg s6  }
0xb0: {  	[dreg:$0x3] =	wrdreg s8  }
0xb1: {  	[dreg:$0x4] =	wrdreg $0xC0  }
0xb2: {  	_ =	task [dreg:s10], $0x5FFFF  }
0xb3: {  	[dreg:$0x1] =	wrdreg $0xFFFFFFFF  }
0xb4: {  	[dreg:$0x0] =	wrdreg $0x60  }
0xb5: {  	[dreg:$0x2] =	wrdreg s24  }
0xb6: {  	[dreg:$0x3] =	wrdreg s17  }
0xb7: {  	[dreg:$0x4] =	wrdreg s15  }
0xb8: {  	[dreg:$0x5] =	wrdreg s4  }
0xb9: {  	[dreg:$0x6] =	wrdreg s16  }
0xba: {  	[dreg:$0x7] =	wrdreg $0x9  }
0xbb: {  	_ =	task.clear_ibuf [dreg:s10], $0x8FFFF;
	_ =	strace $0x90000046  }
0xbc: {  	s29 =	simm.s32 $0x9;
	_ =	strace $0x80000048  }
0xbd: {  	_ =	swait.ge [sflag:s29], $0x1  }
0xbe: {  	[sflag:s29] =	ssyncadd.s32 $0xFFFFFFFF  }
0xbf: {  	_ =	strace $0x90000048  }
0xc0: {  	_ =	sfence  }
0xc1: {  	s30 =	sld [smem:$0x0];
	_ =	sdelay $0x2  }
0xc2: {  	s31 =	sshll.u32 s1, $0xD;
	s1 =	sshrl.u32 s1, $0x2  }
0xc3: {  	s3 =	sand.u32 $0x4000, s31;
	s1 =	sadd.s32 s1, s30  }
0xc4: {  	s0 =	sor.u32 s3, s0;
	s1 =	sshll.u32 s1, $0x11  }
0xc5: {  	s0 =	sor.u32 s1, s0  }
0xc6: {  	s0 =	sadd.s32 $0x8F2B, s0  }
0xc7: {  	[sflag:s0] =	ssyncadd.remote.s32 $0x1  }
0xc8: {  	_ =	sfence.sel $0xFFFF  }
0xc9: {  	[dreg:$0x0] =	wrdreg $0xFFFFFFFF;
	(pc) =	sbr.abs _section_cstart, $3  }
0xca: {  	[dreg:$0x1] =	wrdreg $0xFFFFFFFF  }
0xcb: {  	_ =	task.clear_ibuf [dreg:s10], $0x2FFFF;
	_ =	strace $0x9FFFFFFF  }
0xcc: {  	(tm) =	ssettm $0x7FFFFFFF  }
0xcd: {  	_ =	shalt  }
tec
execute0_lowered:
.L_overlay_start_1:
0x0: {  	(tag) =	ssettag $0x1  }
0x1: {  	s0 =	rddreg [dreg:$0x0];
	s2 =	simm.s32 $0x0  }
0x2: {  	s1 =	srdreg.scid;
	s4 =	stileid.u32;
	s13 =	simm.s32 $0x2  }
0x3: {  	s17 =	simm.s32 $0x78;
	s21 =	simm.s32 $0x1;
	s1 =	sand.u32 $0x1, s1  }
0x4: {  	[smem:$0x7FF] =	sst s2;
	s7 =	sadd.s32 $0x11A00, s0;
	s29 =	ssub.s32 $0x2, s1  }
0x5: {  	s8 =	sadd.s32 $0x2AA00, s0;
	s30 =	sshll.u32 s4, $0x8;
	s3 =	sshrl.u32 s29, $0x1  }
0x6: {  	s0 =	sadd.s32 $0x1200, s0;
	_ =	strace $0x80000047;
	s2 =	ssub.s32 s29, s3  }
0x7: {  	s1 =	sshll.u32 s1, $0x7;
	[dreg:$0x6] =	wrdreg s0;
	s31 =	smax.u32 s2, $0x1  }
0x8: {  	s10 =	sor.u32 s1, s30;
	s1 =	simm.s32 $0x0;
	[dreg:$0x7] =	wrdreg s31  }
.LBB2_1:
0x9: {  	[dreg:$0x8] =	wrdreg s1  }
0xa: {  	s26 =	simm.s32 $0x0;
	s0 =	rddreg [dreg:$0x6];
	s2 =	simm.s32 $0x108  }
0xb: {  	[tilespmem:s2], [sflag:$0x2] =	stream.linear.gather [hbm4b:s0+s26], $0x3200, $0x38;
	[tilespmem:$0x9788] =	vst v63  }
0xc: {  	_ =	swait.ge [sflag:s13], $0x3200  }
0xd: {  	[sflag:s13] =	ssyncset.done $0x0  }
0xe: {  	[sflag:s13] =	ssyncadd.s32 $0xFFFFCE00  }
0xf: {  	s29 =	simm.s32 $0x3308;
	s28 =	rddreg [dreg:$0x2]  }
0x10: {  	[tilespmem:s29], [sflag:$0x2] =	stream.linear.gather [hbm4b:s28+s26], $0x40, $0x38;
	[tilespmem:$0x9788] =	vst v63  }
0x11: {  	_ =	swait.ge [sflag:s13], $0x40  }
0x12: {  	[sflag:s13] =	ssyncset.done $0x0  }
0x13: {  	[sflag:s13] =	ssyncadd.s32 $0xFFFFFFC0  }
0x14: {  	s31 =	simm.s32 $0x3348;
	s30 =	rddreg [dreg:$0x3]  }
0x15: {  	[tilespmem:s31], [sflag:$0x2] =	stream.linear.gather [hbm4b:s30+s26], $0x40, $0x38;
	[tilespmem:$0x9788] =	vst v63  }
0x16: {  	_ =	swait.ge [sflag:s13], $0x40  }
0x17: {  	[sflag:s13] =	ssyncset.done $0x0  }
0x18: {  	[sflag:s13] =	ssyncadd.s32 $0xFFFFFFC0  }
0x19: {  	v0 =	vld [tilespmem:$0x3308]  }
0x1a: {  	v1 =	vld [tilespmem:$0x3318]  }
0x1b: {  	v2 =	vld [tilespmem:$0x3328]  }
0x1c: {  	v3 =	vld [tilespmem:$0x3338]  }
0x1d: {  	v4 =	vld [tilespmem:$0x3348]  }
0x1e: {  	v5 =	vld [tilespmem:$0x3358]  }
0x1f: {  	v6 =	vld [tilespmem:$0x3368]  }
0x20: {  	s24 =	simm.s32 $0x0;
	v7 =	vld [tilespmem:$0x3378]  }
.LBB2_2:
0x21: {  	s25 =	sadd.s32 s10, s24  }
0x22: {  	s0 =	smul.u32 $0x19, s25;
	_ =	sdelay $0x1  }
0x23: {  	s1 =	simm.s32 $0x0;
	s0 =	sadd.s32 s7, s0  }
0x24: {  	[tilespmem:s1], [sflag:$0x2] =	stream.linear.gather [hbm4b:s0+s1], $0xC8, $0x38;
	[tilespmem:$0x9788] =	vst v63  }
0x25: {  	_ =	swait.ge [sflag:s13], $0xC8  }
0x26: {  	[sflag:s13] =	ssyncset.done $0x0  }
0x27: {  	[sflag:s13] =	ssyncadd.s32 $0xFFFFFF38  }
0x28: {  	s5 =	sshll.u32 s25, $0x3;
	s2 =	rddreg [dreg:$0x1]  }
0x29: {  	s6 =	simm.s32 $0xC8;
	s0 =	sadd.s32 s2, s5  }
0x2a: {  	[tilespmem:s6], [sflag:$0x2] =	stream.linear.gather [hbm4b:s0+s1], $0x40, $0x38;
	[tilespmem:$0x9788] =	vst v63  }
0x2b: {  	_ =	swait.ge [sflag:s13], $0x40  }
0x2c: {  	[sflag:s13] =	ssyncset.done $0x0  }
0x2d: {  	s9 =	simm.s32 $0x3388;
	[sflag:s13] =	ssyncadd.s32 $0xFFFFFFC0  }
0x2e: {  	[tilespmem:s9], [sflag:$0x1] =	stream.indirect.gather [hbm4b:s8+s17], $0x40, s1, s17, $0xb8;
	[tilespmem:$0x9788] =	vst v63  }
0x2f: {  	s11 =	simm.s32 $0x50;
	s12 =	simm.s32 $0x5188  }
0x30: {  	[tilespmem:s12], [sflag:$0x1] =	stream.indirect.gather [hbm4b:s8+s11], $0x40, s17, s11, $0xb8;
	[tilespmem:$0x9788] =	vst v63  }
0x31: {  	_ =	swait.ge [sflag:s21], $0x1E00  }
0x32: {  	[sflag:s21] =	ssyncset.done $0x0  }
0x33: {  	[sflag:s21] =	ssyncadd.s32 $0xFFFFE200  }
0x34: {  	_ =	swait.ge [sflag:s21], $0x1400  }
0x35: {  	[sflag:s21] =	ssyncset.done $0x0  }
0x36: {  	[sflag:s21] =	ssyncadd.s32 $0xFFFFEC00  }
0x37: {  	v26 =	vld [tilespmem:$0xC8]  }
0x38: {  	v27 =	vld [tilespmem:$0xD8]  }
0x39: {  	v28 =	vld [tilespmem:$0xE8]  }
0x3a: {  	s28 =	simm.s32 $0x0;
	v29 =	vld [tilespmem:$0xF8]  }
0x3b: {  	v8 =	vld [tilespmem:s28+$0x108]  }
0x3c: {  	v9 =	vld [tilespmem:s28+$0x118]  }
0x3d: {  	v10 =	vld [tilespmem:s28+$0x3388]  }
0x3e: {  	v11 =	vld [tilespmem:s28+$0x3398]  }
0x3f: {  	v12 =	vld [tilespmem:s28+$0x33A8]  }
0x40: {  	v13 =	vld [tilespmem:s28+$0x33B8]  }
0x41: {  	v14 =	vld [tilespmem:s28+$0x128]  }
0x42: {  	v15 =	vld [tilespmem:s28+$0x138];
	_ =	sdelay $0x1  }
0x43: {  	v10 =	vadd.f32 v10, v26;
	v11 =	vadd.f32 v11, v27  }
0x44: {  	v12 =	vadd.f32 v12, v28;
	v13 =	vadd.f32 v13, v29  }
0x45: {  	v10 =	vadd.f32 v8, v10;
	v17 =	vadd.f32 v9, v11  }
0x46: {  	v19 =	vadd.f32 v14, v12;
	v35 =	vadd.f32 v15, v13  }
0x47: {  	s26 =	simm.s32 $0x40  }
0x48: {  	v18 =	vld [tilespmem:s26+$0x3398];
	v8 =	vadd.f32 v17, v10;
	v9 =	vadd.f32 v35, v19  }
0x49: {  	v11 =	vld [tilespmem:s26+$0x108];
	v12 =	vmul.f32 v10, v10;
	v13 =	vmul.f32 v17, v17  }
0x4a: {  	v14 =	vld [tilespmem:s26+$0x118];
	v15 =	vmul.f32 v19, v19;
	v16 =	vmul.f32 v35, v35;
	v8 =	vadd.f32 v9, v8  }
0x4b: {  	v9 =	vld [tilespmem:s26+$0x3388]  }
0x4c: {  	v12 =	vadd.f32 v13, v12;
	v13 =	vadd.f32 v16, v15;
	v15 =	vld [tilespmem:s26+$0x33B8];
	(xrf2) =	vadd.scan.msk.f32 $0xffff, v8  }
0x4d: {  	v8 =	vld [tilespmem:s26+$0x33A8]  }
0x4e: {  	v16 =	vld [tilespmem:s26+$0x138]  }
0x4f: {  	v12 =	vadd.f32 v13, v12;
	v13 =	vld [tilespmem:s26+$0x128];
	_ =	sdelay $0x1  }
0x50: {  	(xrf2) =	vadd.scan.msk.f32 $0xffff, v12;
	v12 =	vadd.f32 v18, v27;
	v9 =	vadd.f32 v9, v26  }
0x51: {  	v15 =	vadd.f32 v15, v29;
	v8 =	vadd.f32 v8, v28  }
0x52: {  	v12 =	vadd.f32 v14, v12;
	v11 =	vadd.f32 v11, v9  }
0x53: {  	v8 =	vadd.f32 v13, v8;
	v13 =	vadd.f32 v16, v15;
	_ =	sdelay $0x1  }
0x54: {  	v9 =	vadd.f32 v12, v11;
	v15 =	vadd.f32 v13, v8;
	v14, _, _ =	vpop (xrf2)  }
0x55: {  	s29 =	simm.s32 $0x80;
	v16 =	vmul.f32 v12, v12;
	v20 =	vmul.f32 v13, v13;
	(v2sf) =	vpush v14, $0xF  }
0x56: {  	v21 =	vld [tilespmem:s29+$0x118];
	v14 =	vmul.f32 v11, v11;
	v9 =	vadd.f32 v15, v9;
	v15 =	vmul.f32 v8, v8  }
0x57: {  	v22 =	vld [tilespmem:s29+$0x3388]  }
0x58: {  	v23 =	vld [tilespmem:s29+$0x138];
	v14 =	vadd.f32 v16, v14;
	(xrf2) =	vadd.scan.msk.f32 $0xffff, v9;
	v9 =	vadd.f32 v20, v15  }
0x59: {  	v16, _, _ =	vpop (xrf2);
	v15 =	vld [tilespmem:s29+$0x3398]  }
0x5a: {  	(v2sf) =	vpush v16, $0xF;
	v16 =	vld [tilespmem:s29+$0x33A8];
	v9 =	vadd.f32 v9, v14  }
0x5b: {  	v14 =	vld [tilespmem:s29+$0x33B8]  }
0x5c: {  	v18 =	vld [tilespmem:s29+$0x108];
	(xrf2) =	vadd.scan.msk.f32 $0xffff, v9  }
0x5d: {  	v20 =	vld [tilespmem:s29+$0x128]  }
0x5e: {  	v15 =	vadd.f32 v15, v27  }
0x5f: {  	v9 =	vadd.f32 v22, v26  }
0x60: {  	v22 =	vadd.f32 v16, v28;
	v24 =	vadd.f32 v14, v29  }
0x61: {  	v16 =	vadd.f32 v18, v9;
	v14 =	vadd.f32 v21, v15  }
0x62: {  	v9 =	vadd.f32 v20, v22;
	v18 =	vadd.f32 v23, v24;
	v15, _, _ =	vpop (xrf2)  }
0x63: {  	s30 =	simm.s32 $0xC0;
	(v2sf) =	vpush v15, $0xF  }
0x64: {  	v25 =	vld [tilespmem:s30+$0x3388];
	v15 =	vadd.f32 v14, v16;
	v20 =	vadd.f32 v18, v9  }
0x65: {  	v21 =	vld [tilespmem:s30+$0x108]  }
0x66: {  	v22 =	vld [tilespmem:s30+$0x118];
	v23 =	vmul.f32 v14, v14;
	v30 =	vmul.f32 v9, v9;
	v15 =	vadd.f32 v20, v15;
	v24, _, _ =	vpop (xrf2)  }
0x67: {  	v31 =	vmul.f32 v18, v18;
	s14 =	spop (v2sf);
	v20 =	vmul.f32 v16, v16;
	(v2sf) =	vpush v24, $0xF;
	v24 =	vld [tilespmem:s30+$0x3398]  }
0x68: {  	(xrf2) =	vadd.scan.msk.f32 $0xffff, v15;
	v15 =	vld [tilespmem:s30+$0x33A8]  }
0x69: {  	s14 =	smul.f32 $1.562500000e-02, s14;
	v20 =	vadd.f32 v23, v20;
	v23 =	vadd.f32 v31, v30;
	v30 =	vld [tilespmem:s30+$0x33B8]  }
0x6a: {  	v31 =	vld [tilespmem:s30+$0x128]  }
0x6b: {  	s15 =	spop (v2sf);
	s16 =	smul.f32 s14, s14;
	v20 =	vadd.f32 v23, v20;
	v23 =	vld [tilespmem:s30+$0x138]  }
0x6c: {  	s0 =	smul.f32 $1.562500000e-02, s15  }
0x6d: {  	(xrf2) =	vadd.scan.msk.f32 $0xffff, v20;
	v20 =	vadd.f32 v25, v26;
	v24 =	vadd.f32 v24, v27  }
0x6e: {  	s0 =	ssub.f32 s0, s16;
	v15 =	vadd.f32 v15, v28;
	v25 =	vadd.f32 v30, v29  }
0x6f: {  	v20 =	vadd.f32 v21, v20;
	v22 =	vadd.f32 v22, v24  }
0x70: {  	s0 =	sadd.f32 $9.999999960e-13, s0;
	v15 =	vadd.f32 v31, v15;
	v21 =	vadd.f32 v23, v25;
	_ =	sdelay $0x1  }
0x71: {  	s31 =	simm.s32 $0x100;
	s18 =	sshrl.u32 s0, $0x1;
	s19 =	smul.f32 $5.000000000e-01, s0;
	v23 =	vadd.f32 v22, v20;
	v25 =	vadd.f32 v21, v15  }
0x72: {  	v34 =	vld [tilespmem:s31+$0x118];
	v30 =	vmul.f32 v20, v20;
	s20 =	ssub.s32 $0x5F3759DF, s18;
	v31 =	vmul.f32 v22, v22  }
0x73: {  	v55 =	vld [tilespmem:s31+$0x3398];
	v32 =	vmul.f32 v15, v15;
	v33 =	vmul.f32 v21, v21;
	s1 =	smul.f32 s20, s19;
	v23 =	vadd.f32 v25, v23  }
0x74: {  	v57 =	vld [tilespmem:s31+$0x128]  }
0x75: {  	v24, _, _ =	vpop (xrf2);
	s3 =	spop (v2sf);
	v25 =	vld [tilespmem:s31+$0x3388];
	v30 =	vadd.f32 v31, v30;
	v31 =	vadd.f32 v33, v32;
	s1 =	smul.f32 s20, s1;
	(xrf2) =	vadd.scan.msk.f32 $0xffff, v23  }
0x76: {  	(v2sf) =	vpush v24, $0xF;
	s6 =	smul.f32 $1.562500000e-02, s3;
	v23 =	vld [tilespmem:s31+$0x33A8]  }
0x77: {  	v30 =	vadd.f32 v31, v30;
	v31 =	vld [tilespmem:s31+$0x33B8];
	s1 =	ssub.f32 $1.500000000e+00, s1  }
0x78: {  	v24 =	vld [tilespmem:s31+$0x108];
	s3 =	smul.f32 s6, s6  }
0x79: {  	v56, _, _ =	vpop (xrf2);
	s9 =	spop (v2sf);
	(xrf2) =	vadd.scan.msk.f32 $0xffff, v30;
	v30 =	vld [tilespmem:s31+$0x138];
	s1 =	smul.f32 s20, s1  }
0x7a: {  	v32 =	vadd.f32 v55, v27;
	s22 =	smul.f32 $1.562500000e-02, s9  }
0x7b: {  	(v2sf) =	vpush v56, $0xF;
	v25 =	vadd.f32 v25, v26;
	s23 =	smul.f32 s1, s19  }
0x7c: {  	s0 =	ssub.f32 s22, s3;
	v23 =	vadd.f32 v23, v28;
	v31 =	vadd.f32 v31, v29  }
0x7d: {  	v25 =	vadd.f32 v24, v25;
	v24 =	vadd.f32 v34, v32;
	s4 =	smul.f32 s23, s1  }
0x7e: {  	s5 =	sadd.f32 $9.999999960e-13, s0;
	v23 =	vadd.f32 v57, v23;
	v34 =	vadd.f32 v30, v31  }
0x7f: {  	v38 =	vadd.f32 v24, v25;
	s11 =	ssub.f32 $1.500000000e+00, s4;
	v39, _, _ =	vpop (xrf2)  }
0x80: {  	s0 =	simm.s32 $0x140;
	s12 =	sshrl.u32 s5, $0x1;
	s3 =	smul.f32 $5.000000000e-01, s5;
	v43 =	vadd.f32 v34, v23;
	(v2sf) =	vpush v39, $0xF  }
0x81: {  	v36 =	vld [tilespmem:s0+$0x108];
	s15 =	ssub.s32 $0x5F3759DF, s12;
	s1 =	smul.f32 s11, s1  }
0x82: {  	v58 =	vld [tilespmem:s0+$0x118];
	s16 =	smul.f32 s15, s3;
	v38 =	vadd.f32 v43, v38  }
0x83: {  	v30 =	vld [tilespmem:s0+$0x3388];
	s2 =	smul.f32 s1, s19  }
0x84: {  	v59 =	vmul.f32 v25, v25;
	v37 =	vmul.f32 v24, v24;
	v31 =	vld [tilespmem:s0+$0x3398];
	v61, _, _ =	vpop (xrf2);
	s11 =	smul.f32 s15, s16;
	(xrf2) =	vadd.scan.msk.f32 $0xffff, v38  }
0x85: {  	v40 =	vld [tilespmem:s0+$0x33A8];
	v41 =	vmul.f32 v23, v23;
	v42 =	vmul.f32 v34, v34;
	s19 =	spop (v2sf)  }
0x86: {  	v60 =	vld [tilespmem:s0+$0x33B8];
	s18 =	smul.f32 s2, s1;
	s11 =	ssub.f32 $1.500000000e+00, s11  }
0x87: {  	v62 =	vld [tilespmem:s0+$0x128];
	v33 =	vadd.f32 v37, v59;
	v41 =	vadd.f32 v42, v41;
	s2 =	smul.f32 $1.562500000e-02, s19  }
0x88: {  	v63 =	vld [tilespmem:s0+$0x138];
	(v2sf) =	vpush v61, $0xF;
	s12 =	ssub.f32 $1.500000000e+00, s18;
	s9 =	smul.f32 s15, s11  }
0x89: {  	v30 =	vadd.f32 v30, v26;
	v41 =	vadd.f32 v41, v33;
	s22 =	smul.f32 s2, s2  }
0x8a: {  	v31 =	vadd.f32 v31, v27;
	v40 =	vadd.f32 v40, v28;
	s20 =	spop (v2sf);
	s12 =	smul.f32 s12, s1  }
0x8b: {  	v39 =	vadd.f32 v60, v29;
	v33 =	vadd.f32 v36, v30;
	s1 =	smul.f32 $1.562500000e-02, s20  }
0x8c: {  	v32 =	vadd.f32 v58, v31;
	v30 =	vadd.f32 v62, v40;
	v36 =	vmov s14;
	(xrf2) =	vadd.scan.msk.f32 $0xffff, v41;
	s23 =	smul.f32 s9, s3  }
0x8d: {  	v31 =	vadd.f32 v63, v39;
	s14 =	simm.s32 $0x600;
	v35 =	vsub.f32 v35, v36;
	s1 =	ssub.f32 s1, s22;
	v37 =	vmul.f32 s12, v3  }
.LBB2_3:
0x8e: {  	p0 =	sne.s32 s14, $0xC700;
	v38 =	vadd.f32 v32, v33;
	v39, _, _ =	vpop (xrf2);
	s23 =	smul.f32 s23, s9;
	v40 =	vmul.f32 s12, v0;
	v41 =	vmul.f32 s12, v1;
	s15 =	smov.u32 s2  }
0x8f: {  	s2 =	spop (v2sf);
	s1 =	sadd.f32 $9.999999960e-13, s1  }
0x90: {  	s11 =	sshra.s32 s14, $0x2;
	v42 =	vadd.f32 v31, v30;
	(v2sf) =	vpush v39, $0xF;
	v35 =	vmul.f32 v37, v35;
	v39 =	vmovc v21;
	v21 =	vmovc v34;
	s2 =	smul.f32 $1.562500000e-02, s2;
	s23 =	ssub.f32 $1.500000000e+00, s23  }
0x91: {  	v45 =	vsub.f32 v17, v36;
	v43 =	vmul.f32 s12, v2;
	v34 =	vsub.f32 v10, v36;
	v10 =	vmovc v11;
	v11 =	vmovc v16;
	v37 =	vld [tilespmem:s11+$0x108];
	s12 =	sshrl.u32 s1, $0x1;
	s1 =	smul.f32 $5.000000000e-01, s1  }
0x92: {  	v16 =	vmovc v20;
	v20 =	vmovc v25;
	v25 =	vmov v33;
	v44 =	vld [tilespmem:s11+$0x118];
	v38 =	vadd.f32 v42, v38;
	v35 =	vadd.f32 v35, v7;
	s4 =	ssub.s32 $0x5F3759DF, s12;
	s12 =	smul.f32 s23, s9  }
0x93: {  	v19 =	vsub.f32 v19, v36;
	v17 =	vmovc v12;
	v34 =	vmul.f32 v40, v34;
	v40 =	vmul.f32 v41, v45;
	v42 =	vld [tilespmem:s11+$0x3388];
	s16 =	smul.f32 s2, s2  }
0x94: {  	v12 =	vmovc v14;
	v33 =	vmul.f32 v33, v25;
	v41 =	vmul.f32 v32, v32;
	v36 =	vld [tilespmem:s11+$0x3398];
	(xrf2) =	vadd.scan.msk.f32 $0xffff, v38;
	s9 =	smul.f32 s4, s1;
	[tilespmem:s28+$0x65B8] =	vst v35  }
0x95: {  	v14 =	vmovc v22;
	v45 =	vmul.f32 v31, v31;
	v38 =	vmul.f32 v30, v30;
	v34 =	vadd.f32 v34, v4;
	v35 =	vld [tilespmem:s11+$0x33A8];
	s23 =	smul.f32 s12, s3;
	s3 =	smov.u32 s1  }
0x96: {  	v33 =	vadd.f32 v41, v33;
	v40 =	vadd.f32 v40, v5;
	v41 =	vmul.f32 v43, v19;
	v46 =	vld [tilespmem:s11+$0x33B8];
	v22, _, _ =	vpop (xrf2);
	s1 =	smul.f32 s4, s9  }
0x97: {  	v19 =	vmovc v8;
	v38 =	vadd.f32 v45, v38;
	v43 =	vld [tilespmem:s11+$0x128];
	(v2sf) =	vpush v22, $0xF;
	s9 =	spop (v2sf);
	s23 =	smul.f32 s23, s12;
	[tilespmem:s28+$0x6588] =	vst v34;
	v22 =	vmovc v24;
	v24 =	vmov v32  }
0x98: {  	v8 =	vmovc v9;
	v9 =	vmovc v15;
	v15 =	vmov v23;
	v23 =	vmov v30;
	v32 =	vadd.f32 v41, v6;
	v45 =	vld [tilespmem:s11+$0x138];
	s1 =	ssub.f32 $1.500000000e+00, s1;
	[tilespmem:s28+$0x6598] =	vst v40;
	s18 =	smul.f32 $1.562500000e-02, s9  }
.Ltmp0:
0x99: {  	v30 =	vadd.f32 v42, v26;
	v38 =	vadd.f32 v38, v33;
	s23 =	ssub.f32 $1.500000000e+00, s23;
	(pc) =	sbr.rel @p0 .LBB2_3-.Ltmp0, $4  }
0x9a: {  	v34 =	vmov v31;
	v36 =	vadd.f32 v36, v27;
	v35 =	vadd.f32 v35, v28;
	s9 =	smul.f32 s4, s1;
	[tilespmem:s28+$0x65A8] =	vst v32;
	s28 =	smov.u32 s26;
	s26 =	smov.u32 s29  }
0x9b: {  	v33 =	vadd.f32 v37, v30;
	s29 =	smov.u32 s30;
	s30 =	smov.u32 s31;
	v31 =	vadd.f32 v46, v29;
	(xrf2) =	vadd.scan.msk.f32 $0xffff, v38;
	s12 =	smul.f32 s23, s12  }
0x9c: {  	s31 =	smov.u32 s0;
	s0 =	smov.u32 s11;
	v32 =	vadd.f32 v44, v36;
	v36 =	vmov s6;
	v30 =	vadd.f32 v43, v35;
	s23 =	smul.f32 s9, s3  }
0x9d: {  	s14 =	sadd.s32 $0x100, s14;
	s1 =	ssub.f32 s18, s16;
	s6 =	smov.u32 s15;
	v35 =	vsub.f32 v13, v36;
	v13 =	vmovc v18;
	v18 =	vmovc v39;
	v31 =	vadd.f32 v45, v31;
	v37 =	vmul.f32 s12, v3  }
0x9e: {  	_ = 	snop  }
0x9f: {  	v26 =	vadd.f32 v32, v33  }
0xa0: {  	v28 =	vmul.f32 v33, v33;
	v29 =	vmul.f32 v32, v32;
	v27 =	vadd.f32 v31, v30  }
0xa1: {  	v38, _, _ =	vpop (xrf2);
	v39 =	vmul.f32 v30, v30;
	v40 =	vmul.f32 v31, v31  }
0xa2: {  	s4 =	smul.f32 s23, s9;
	(v2sf) =	vpush v38, $0xF;
	v26 =	vadd.f32 v27, v26  }
0xa3: {  	s1 =	sadd.f32 $9.999999960e-13, s1;
	s11 =	spop (v2sf);
	v45 =	vadd.f32 v29, v28;
	v46 =	vadd.f32 v40, v39  }
0xa4: {  	s15 =	smul.f32 $1.562500000e-02, s11;
	s4 =	ssub.f32 $1.500000000e+00, s4;
	(xrf2) =	vadd.scan.msk.f32 $0xffff, v26  }
0xa5: {  	s14 =	sshrl.u32 s1, $0x1;
	s1 =	smul.f32 $5.000000000e-01, s1;
	v27 =	vadd.f32 v46, v45;
	v47, _, _ =	vpop (xrf2)  }
0xa6: {  	s22 =	ssub.s32 $0x5F3759DF, s14;
	s4 =	smul.f32 s4, s9;
	(v2sf) =	vpush v47, $0xF  }
0xa7: {  	s14 =	smul.f32 s22, s1;
	(xrf2) =	vadd.scan.msk.f32 $0xffff, v27  }
0xa8: {  	s16 =	smul.f32 s15, s15  }
0xa9: {  	s23 =	smul.f32 s22, s14;
	s5 =	spop (v2sf)  }
0xaa: {  	s14 =	smul.f32 $1.562500000e-02, s5  }
0xab: {  	s9 =	ssub.f32 $1.500000000e+00, s23  }
0xac: {  	s3 =	smul.f32 s4, s3;
	s14 =	ssub.f32 s14, s16  }
0xad: {  	s9 =	smul.f32 s22, s9  }
0xae: {  	s3 =	smul.f32 s3, s4;
	s18 =	sadd.f32 $9.999999960e-13, s14;
	v48, _, _ =	vpop (xrf2)  }
0xaf: {  	s19 =	smul.f32 s9, s1;
	(v2sf) =	vpush v48, $0xF  }
0xb0: {  	s20 =	sshrl.u32 s18, $0x1;
	s18 =	smul.f32 $5.000000000e-01, s18  }
0xb1: {  	s22 =	smul.f32 s19, s9;
	s16 =	ssub.s32 $0x5F3759DF, s20;
	v49, _, _ =	vpop (xrf2)  }
0xb2: {  	s5 =	spop (v2sf);
	s19 =	smul.f32 s16, s18;
	(v2sf) =	vpush v49, $0xF  }
0xb3: {  	s14 =	smul.f32 $1.562500000e-02, s5  }
0xb4: {  	s23 =	smul.f32 s16, s19  }
0xb5: {  	s20 =	smul.f32 s14, s14;
	s19 =	spop (v2sf)  }
0xb6: {  	s23 =	ssub.f32 $1.500000000e+00, s23;
	s19 =	smul.f32 $1.562500000e-02, s19  }
0xb7: {  	s3 =	ssub.f32 $1.500000000e+00, s3  }
0xb8: {  	s16 =	smul.f32 s16, s23;
	s20 =	ssub.f32 s19, s20  }
0xb9: {  	s4 =	smul.f32 s3, s4;
	s11 =	ssub.f32 $1.500000000e+00, s22  }
0xba: {  	s22 =	smul.f32 s16, s18;
	s3 =	sadd.f32 $9.999999960e-13, s20  }
0xbb: {  	s19 =	smul.f32 s11, s9  }
0xbc: {  	s23 =	sshrl.u32 s3, $0x1;
	s11 =	smul.f32 $5.000000000e-01, s3  }
0xbd: {  	s9 =	smul.f32 s22, s16;
	s20 =	ssub.s32 $0x5F3759DF, s23  }
0xbe: {  	s5 =	spop (v2sf);
	s22 =	smul.f32 s20, s11  }
0xbf: {  	s3 =	smul.f32 $1.562500000e-02, s5  }
0xc0: {  	s23 =	smul.f32 s20, s22  }
0xc1: {  	s22 =	spop (v2sf);
	s5 =	smul.f32 s3, s3  }
0xc2: {  	s9 =	ssub.f32 $1.500000000e+00, s9;
	s22 =	smul.f32 $1.562500000e-02, s22  }
0xc3: {  	_ = 	snop  }
0xc4: {  	s16 =	smul.f32 s9, s16;
	s5 =	ssub.f32 s22, s5  }
0xc5: {  	v50 =	vmul.f32 s12, v0;
	v51 =	vmul.f32 s12, v1;
	s1 =	smul.f32 s19, s1;
	s23 =	ssub.f32 $1.500000000e+00, s23  }
0xc6: {  	v10 =	vsub.f32 v10, v36;
	v17 =	vsub.f32 v17, v36;
	v54 =	vmov s6;
	s18 =	smul.f32 s16, s18;
	s5 =	sadd.f32 $9.999999960e-13, s5  }
0xc7: {  	v53 =	vmul.f32 s12, v2;
	v19 =	vsub.f32 v19, v36;
	v13 =	vsub.f32 v13, v54;
	s20 =	smul.f32 s20, s23  }
0xc8: {  	v59 =	vmov s2;
	v11 =	vsub.f32 v11, v54;
	v12 =	vsub.f32 v12, v54;
	s23 =	sshrl.u32 s5, $0x1;
	s9 =	smul.f32 $5.000000000e-01, s5  }
0xc9: {  	v52 =	vmul.f32 v37, v35;
	v8 =	vsub.f32 v8, v54;
	v18 =	vsub.f32 v18, v59;
	s18 =	smul.f32 s18, s16;
	s12 =	ssub.s32 $0x5F3759DF, s23  }
0xca: {  	v16 =	vsub.f32 v16, v59;
	v14 =	vsub.f32 v14, v59;
	v10 =	vmul.f32 v50, v10;
	s22 =	smul.f32 s12, s9  }
0xcb: {  	v9 =	vsub.f32 v9, v59;
	v17 =	vmul.f32 v51, v17;
	v19 =	vmul.f32 v53, v19;
	s1 =	smul.f32 s1, s19  }
0xcc: {  	v28 =	vadd.f32 v52, v7;
	v10 =	vadd.f32 v10, v4;
	s5 =	ssub.f32 $1.500000000e+00, s18;
	s6 =	smul.f32 s12, s22  }
0xcd: {  	v17 =	vadd.f32 v17, v5;
	v19 =	vadd.f32 v19, v6;
	s23 =	smul.f32 s20, s11  }
0xce: {  	v35 =	vmov s15;
	v55 =	vmul.f32 s4, v3;
	v58 =	vmul.f32 s4, v2;
	s2 =	smul.f32 s5, s16;
	s18 =	ssub.f32 $1.500000000e+00, s6  }
0xcf: {  	v36 =	vsub.f32 v21, v35;
	v56 =	vmul.f32 s4, v0;
	v57 =	vmul.f32 s4, v1;
	s1 =	ssub.f32 $1.500000000e+00, s1;
	s4 =	smul.f32 s23, s20  }
0xd0: {  	[tilespmem:s28+$0x65B8] =	vst v28;
	v20 =	vsub.f32 v20, v35;
	v13 =	vmul.f32 v55, v13;
	v8 =	vmul.f32 v58, v8;
	s5 =	smul.f32 s12, s18  }
0xd1: {  	v40 =	vsub.f32 v22, v35;
	[tilespmem:s28+$0x6588] =	vst v10;
	v11 =	vmul.f32 v56, v11;
	v12 =	vmul.f32 v57, v12;
	s1 =	smul.f32 s1, s19;
	s4 =	ssub.f32 $1.500000000e+00, s4  }
0xd2: {  	[tilespmem:s28+$0x6598] =	vst v17;
	v13 =	vadd.f32 v13, v7;
	v8 =	vadd.f32 v8, v6;
	s19 =	smul.f32 s5, s9  }
0xd3: {  	[tilespmem:s28+$0x65A8] =	vst v19;
	v11 =	vadd.f32 v11, v4;
	v12 =	vadd.f32 v12, v5;
	v43 =	vmov s14;
	s4 =	smul.f32 s4, s20  }
0xd4: {  	[tilespmem:s26+$0x65A8] =	vst v8;
	v8 =	vsub.f32 v15, v35;
	v44 =	vsub.f32 v34, v43;
	s20 =	smul.f32 s19, s5  }
0xd5: {  	v47 =	vsub.f32 v25, v43;
	v60 =	vmul.f32 s1, v3;
	v61 =	vmul.f32 s1, v0;
	s11 =	smul.f32 s4, s11  }
0xd6: {  	v52 =	vmov s3;
	v62 =	vmul.f32 s1, v1;
	v63 =	vmul.f32 s1, v2;
	s1 =	ssub.f32 $1.500000000e+00, s20  }
0xd7: {  	v49 =	vsub.f32 v24, v43;
	v53 =	vsub.f32 v31, v52;
	s22 =	smul.f32 s11, s4  }
0xd8: {  	v56 =	vsub.f32 v33, v52;
	v18 =	vmul.f32 v60, v18;
	v16 =	vmul.f32 v61, v16;
	s1 =	smul.f32 s1, s5  }
0xd9: {  	[tilespmem:s26+$0x65B8] =	vst v13;
	v58 =	vsub.f32 v32, v52;
	v27 =	vmul.f32 v62, v14;
	v9 =	vmul.f32 v63, v9;
	s6 =	ssub.f32 $1.500000000e+00, s22  }
0xda: {  	[tilespmem:s26+$0x6588] =	vst v11;
	v14 =	vsub.f32 v23, v43;
	v18 =	vadd.f32 v18, v7;
	v37 =	vmul.f32 s2, v3;
	s23 =	smul.f32 s1, s9  }
0xdb: {  	[tilespmem:s26+$0x6598] =	vst v12;
	v16 =	vadd.f32 v16, v4;
	v38 =	vmul.f32 s2, v0;
	v39 =	vmul.f32 s2, v1;
	s4 =	smul.f32 s6, s4  }
0xdc: {  	v10 =	vadd.f32 v27, v5;
	[tilespmem:s29+$0x65B8] =	vst v18;
	v42 =	vmul.f32 s2, v2;
	v17 =	vmul.f32 v37, v36;
	s2 =	smul.f32 s23, s1  }
0xdd: {  	v9 =	vadd.f32 v9, v6;
	[tilespmem:s29+$0x6588] =	vst v16;
	v41 =	vmul.f32 v38, v20;
	v13 =	vmul.f32 v39, v40  }
0xde: {  	[tilespmem:s29+$0x6598] =	vst v10;
	v8 =	vmul.f32 v42, v8;
	v17 =	vadd.f32 v17, v7;
	v45 =	vmul.f32 s4, v3;
	s2 =	ssub.f32 $1.500000000e+00, s2  }
0xdf: {  	[tilespmem:s29+$0x65A8] =	vst v9;
	v11 =	vadd.f32 v41, v4;
	v46 =	vmul.f32 s4, v0;
	v48 =	vmul.f32 s4, v1  }
0xe0: {  	v13 =	vadd.f32 v13, v5;
	[tilespmem:s30+$0x65B8] =	vst v17;
	v50 =	vmul.f32 s4, v2;
	v15 =	vmul.f32 v45, v44;
	s1 =	smul.f32 s2, s1  }
0xe1: {  	v8 =	vadd.f32 v8, v6;
	[tilespmem:s30+$0x6588] =	vst v11;
	v12 =	vmul.f32 v46, v47;
	v10 =	vmul.f32 v48, v49  }
0xe2: {  	[tilespmem:s30+$0x6598] =	vst v13;
	v9 =	vmul.f32 v50, v14;
	v15 =	vadd.f32 v15, v7;
	v54 =	vmul.f32 s1, v3  }
0xe3: {  	[tilespmem:s30+$0x65A8] =	vst v8;
	v51 =	vadd.f32 v12, v4;
	v10 =	vadd.f32 v10, v5;
	v55 =	vmul.f32 s1, v0  }
0xe4: {  	v8 =	vadd.f32 v9, v6;
	[tilespmem:s31+$0x65B8] =	vst v15;
	v57 =	vmul.f32 s1, v1;
	v13 =	vmul.f32 v54, v53  }
0xe5: {  	v12 =	vsub.f32 v30, v52;
	[tilespmem:s31+$0x6588] =	vst v51;
	v59 =	vmul.f32 s1, v2;
	v9 =	vmul.f32 v55, v56  }
0xe6: {  	[tilespmem:s31+$0x6598] =	vst v10;
	v61 =	vmul.f32 v57, v58;
	v60 =	vadd.f32 v13, v7  }
0xe7: {  	[tilespmem:s31+$0x65A8] =	vst v8;
	v62 =	vmul.f32 v59, v12;
	v8 =	vadd.f32 v9, v4  }
0xe8: {  	v63 =	vadd.f32 v61, v5;
	[tilespmem:s0+$0x65B8] =	vst v60  }
0xe9: {  	s24 =	sadd.s32 $0x1, s24;
	s28 =	smul.u32 $0x640, s25;
	[tilespmem:s0+$0x6588] =	vst v8;
	v8 =	vadd.f32 v62, v6  }
0xea: {  	p0 =	sne.s32 s24, $0x80;
	s29 =	rddreg [dreg:$0x4];
	s30 =	simm.s32 $0x0;
	[tilespmem:s0+$0x6598] =	vst v63  }
.Ltmp1:
0xeb: {  	s31 =	simm.s32 $0x6588;
	[tilespmem:s0+$0x65A8] =	vst v8;
	s0 =	sadd.s32 s29, s28;
	(pc) =	sbr.rel @p0 .LBB2_2-.Ltmp1, $4  }
0xec: {  	[hbm4b:s0+s30] =	stream.linear.scatter [tilespmem:s31], [sflag:$0x2], $0x3200, $0x38;
	[tilespmem:$0x9788] =	vst v63  }
0xed: {  	_ =	swait.ge [sflag:s13], $0x3200  }
0xee: {  	[sflag:s13] =	ssyncset.done $0x0  }
0xef: {  	[sflag:s13] =	ssyncadd.s32 $0xFFFFCE00  }
0xf0: {  	s1 =	rddreg [dreg:$0x8]  }
0xf1: {  	s0 =	rddreg [dreg:$0x7];
	s1 =	sadd.s32 $0x1, s1  }
0xf2: {  	p0 =	sne.s32 s1, s0  }
.Ltmp2:
0xf3: {  	_ = 	snop;
	(pc) =	sbr.rel @p0 .LBB2_1-.Ltmp2, $1  }
0xf4: {  	_ =	sdelay $0x3  }
0xf5: {  	_ =	sfence.sel $0x180000  }
0xf6: {  	[bflag:$0x0] =	sbarrier.arrive $0xFFFF  }
0xf7: {  	_ =	strace $0x90000047  }
0xf8: {  	s0 =	stileid.u32;
	[bflag:$0x2] =	sbarrier.arrive $0xFFFF  }
0xf9: {  	p0 =	sne.s32 s0, $0x0;
	s0 =	rddreg [dreg:$0x5]  }
0xfa: {  	s0 =	sadd.s32 @!p0 $0x100000, s0  }
0xfb: {  	[sflag:s0] =	ssyncadd.tile.s32 @!p0 $0x1;
	_ =	shalt  }
.Lfunc_end2:
_tile_overlayer_lowered:
.L_overlay_start_2:
0xfc: {  	(tag) =	ssettag $0x2  }
0xfd: {  	s0 =	rddreg [dreg:$0x0];
	s2 =	stileid.u32  }
0xfe: {  	s1 =	rddreg [dreg:$0x1];
	p0 =	sne.s32 s2, $0x0  }
0xff: {  	s3 =	rddreg [dreg:$0x2];
	[bflag:$0x3] =	sbarrier.arrive $0xFFFF;
	s2 =	simm.s32 @!p0 $0x1C02  }
0x100: {  	[timem:s3], [sflag:s2] =	dma.local @!p0 [hbm:s0], s1  }
0x101: {  	s0 =	simm.s32 @!p0 $0x2  }
0x102: {  	_ =	swait.ge @!p0 [sflag:s0], s1  }
0x103: {  	s1 =	ssub.s32 @!p0 $0x0, s1;
	[sflag:s0] =	ssyncset.done @!p0 $0x0  }
0x104: {  	[sflag:s0] =	ssyncadd.s32 @!p0 s1  }
0x105: {  	[bflag:$0x3] =	sbarrier.arrive $0xFFFF  }
0x106: {  	_ =	shalt  }

// kernel: sparse-core-data-format-call.cloned.1.call-start
scs
called_computation_lowered:
.L_overlay_start_0:
0x0: {  	s2 =	sld [smem:$0x3FD9]  }
0x1: {  	s3 =	sld [smem:$0x3FFE];
	_ =	sdelay $0x1  }
0x2: {  	s1 =	srdreg.scid  }
0x3: {  	s0 =	sand.u32 $0x1, s1  }
0x4: {  	s15 =	sshll.u32 s0, $0xA;
	s2 =	sadd.s32 s3, s2  }
0x5: {  	s2 =	sadd.s32 s2, s15  }
0x6: {  	[smem:$0x3FC1] =	sst s2  }
0x7: {  	_ = 	snop  }
0x8: {  	s2 =	sld [smem:$0x3FD0];
	_ =	sdelay $0x2  }
0x9: {  	s16 =	simm.s32 $0xA;
	s4 =	simm.s32 $0x10  }
0xa: {  	[smem:s4], [sflag:s16] =	dma.local [hbm:s2], $0x1  }
0xb: {  	_ =	swait.eq [sflag:s16], $0x1  }
0xc: {  	[sflag:s16] =	ssyncset.done $0x0  }
0xd: {  	[sflag:s16] =	ssyncadd.s32 $0xFFFFFFFF  }
0xe: {  	s17 =	sld [smem:$0x10];
	(tm) =	ssettm $0x1  }
0xf: {  	s18 =	sld [smem:$0x3FFB];
	_ =	sdelay $0x3  }
0x10: {  	_ =	strace s18  }
0x11: {  	s3 =	sld [smem:$0x3FFC];
	_ =	sdelay $0x3  }
0x12: {  	_ =	strace s3  }
0x13: {  	s3 =	sld [smem:$0x3FFD];
	_ =	sdelay $0x3  }
0x14: {  	_ =	strace s3  }
0x15: {  	_ =	strace $0x8FFFFFFF  }
0x16: {  	s19 =	sld [smem:$0x3FDB];
	_ =	sdelay $0x1  }
0x17: {  	s20 =	simm.s32 $_scs_section_size  }
0x18: {  	s5 =	simm.s32 $_size__tile_overlayer_lowered;
	s6 =	simm.s32 $_tile_overlayer_lowered  }
0x19: {  	s23 =	simm.s32 $0x1BFF;
	s22 =	sshll.u32 s6, $0x1;
	s3 =	sadd.s32 s20, s19  }
0x1a: {  	s7 =	simm.s32 $0x0;
	s21 =	sshll.u32 s5, $0x1;
	s5 =	sadd.s32 s22, s3  }
0x1b: {  	[timem:s7], [sflag:s23] =	dma.local [hbm:s5], s21  }
0x1c: {  	_ =	swait.ge [sflag:s23], s21  }
0x1d: {  	s4 =	ssub.s32 $0x0, s21;
	[sflag:s23] =	ssyncset.done $0x0  }
0x1e: {  	[sflag:s23] =	ssyncadd.s32 s4;
	_ =	sdelay $0x1  }
0x1f: {  	s24 =	simm.s32 $0x1B8B  }
0x20: {  	_ =	swait.ge [sflag:s24], $0x1  }
0x21: {  	[sflag:s24] =	ssyncset.done $0x0  }
0x22: {  	s26 =	simm.s32 $0x1B8E;
	s25 =	sld [smem:$0x3FFE];
	[sflag:s24] =	ssyncadd.s32 $0xFFFFFFFF  }
0x23: {  	s27 =	simm.s32 $execute0_lowered;
	[smem:$0x3FD2] =	sst s26  }
0x24: {  	s5 =	sshll.u32 s27, $0x1;
	_ =	strace $0x80000049;
	[dreg:$0x1] =	wrdreg $0xFFFFFFFF  }
0x25: {  	s28 =	simm.s32 $_size_execute0_lowered;
	s3 =	sadd.s32 s3, s5;
	[dreg:$0x0] =	wrdreg $0x0  }
0x26: {  	s5 =	sshll.u32 s28, $0x1;
	[dreg:$0x2] =	wrdreg s3  }
0x27: {  	[dreg:$0x3] =	wrdreg s5  }
0x28: {  	[dreg:$0x4] =	wrdreg $0xC0  }
0x29: {  	_ =	task [dreg:s7], $0x5FFFF  }
0x2a: {  	[dreg:$0x1] =	wrdreg $0xFFFFFFFF  }
0x2b: {  	[dreg:$0x0] =	wrdreg $0x60  }
0x2c: {  	[dreg:$0x2] =	wrdreg s25  }
0x2d: {  	[dreg:$0x3] =	wrdreg s17  }
0x2e: {  	[dreg:$0x4] =	wrdreg $0x9  }
0x2f: {  	_ =	task.clear_ibuf [dreg:s7], $0x5FFFF;
	_ =	strace $0x90000049  }
0x30: {  	s29 =	simm.s32 $0x9;
	_ =	strace $0x8000004B  }
0x31: {  	_ =	swait.ge [sflag:s29], $0x1  }
0x32: {  	[sflag:s29] =	ssyncadd.s32 $0xFFFFFFFF  }
0x33: {  	_ =	strace $0x9000004B  }
0x34: {  	_ =	sfence  }
0x35: {  	s30 =	sld [smem:$0x0];
	_ =	sdelay $0x2  }
0x36: {  	s31 =	sshll.u32 s1, $0xD;
	s1 =	sshrl.u32 s1, $0x2  }
0x37: {  	s3 =	sand.u32 $0x4000, s31;
	s1 =	sadd.s32 s1, s30  }
0x38: {  	s0 =	sor.u32 s3, s0;
	s1 =	sshll.u32 s1, $0x11  }
0x39: {  	s0 =	sor.u32 s1, s0  }
0x3a: {  	s0 =	sadd.s32 $0x8F2B, s0  }
0x3b: {  	[sflag:s0] =	ssyncadd.remote.s32 $0x1  }
0x3c: {  	_ =	sfence.sel $0xFFFF  }
0x3d: {  	[dreg:$0x0] =	wrdreg $0xFFFFFFFF;
	(pc) =	sbr.abs _section_cstart, $3  }
0x3e: {  	[dreg:$0x1] =	wrdreg $0xFFFFFFFF  }
0x3f: {  	_ =	task.clear_ibuf [dreg:s7], $0x2FFFF;
	_ =	strace $0x9FFFFFFF  }
0x40: {  	(tm) =	ssettm $0x7FFFFFFF  }
0x41: {  	_ =	shalt  }
tec
execute0_lowered:
.L_overlay_start_1:
0x0: {  	(tag) =	ssettag $0x1  }
0x1: {  	s0 =	srdreg.scid  }
0x2: {  	s1 =	sshll.u32 s0, $0x4  }
0x3: {  	s0 =	stileid.u32;
	s1 =	sand.u32 $0x10, s1  }
0x4: {  	s1 =	sor.u32 s0, s1  }
0x5: {  	s6 =	rddreg [dreg:$0x0];
	s4 =	simm.s32 $0x1;
	s2 =	sshll.u32 s1, $0x7  }
0x6: {  	s7 =	simm.s32 $0x2;
	s12 =	simm.s32 $0x0;
	s1 =	ssub.s32 $0x1000, s2  }
0x7: {  	s8 =	simm.s32 $0x8000;
	s13 =	simm.s32 $0x0;
	s3 =	sand.u32 $0xF80, s1  }
0x8: {  	s9 =	simm.s32 $0x0;
	s5 =	sshrl.u32 s1, $0xC;
	p0 =	sne.s32 s3, $0x0  }
.Ltmp0:
0x9: {  	s1 =	rddreg [dreg:$0x2];
	s4 =	simm.s32 @!p0 $0x0;
	(pc) =	sbr.rel .LBB1_1-.Ltmp0, $4  }
0xa: {  	s11 =	simm.s32 $0x0;
	s3 =	rddreg [dreg:$0x1];
	s5 =	sadd.s32 s4, s5  }
0xb: {  	_ =	strace $0x8000004A;
	s4 =	simm.s32 $0x1;
	s5 =	smul.u32 $0xC8, s5  }
0xc: {  	s6 =	sadd.s32 $0x11A00, s6;
	s10 =	smov.u32 s2;
	[sflag:s4] =	ssyncpa.u1 $0x0  }
0xd: {  	p0 =	por $0x0, $0x0;
	[sflag:s7] =	ssyncpa.u1 $0x0;
	s7 =	sor.u32 $0x1, s5  }
.LBB1_4:
0xe: {  	s16 =	sshll.u32 s13, $0x3;
	s17 =	sand.u32 $0x78, s13  }
0xf: {  	s30 =	sand.u32 $0x7E00, s13;
	s12 =	sshll.u32 s12, $0xF;
	s16 =	sand.u32 $0xC00, s16  }
0x10: {  	[tilespmem:s15+$0x810 ss:$0x81] =	vst.msk $0xffff, v2;
	s31 =	sand.u32 $0x7, s13;
	s16 =	sor.u32 s17, s16;
	s17 =	sadd.s32 s3, s30  }
0x11: {  	[tilespmem:s15+$0x1020 ss:$0x81] =	vst.msk $0xffff, v0;
	s13 =	sshll.u32 s31, $0x12;
	s12 =	sadd.s32 s12, s17;
	s16 =	sshrl.u32 s16, $0x3  }
0x12: {  	[tilespmem:s15+$0x0 ss:$0x81] =	vst.msk $0xffff, v1;
	s13 =	sor.u32 $0x400, s13;
	s12 =	sadd.s32 s16, s12  }
0x13: {  	[hbm4b:s12+s13] =	stream.strided.scatter [tilespmem:s14], [sflag:$0x2], $0x2000, s8, s13, $0x20;
	[tilespmem:$0x8080] =	vst v63  }
.LBB1_5:
0x14: {  	s14 =	sadd.s32 $0x1, s9  }
0x15: {  	s12 =	sadd.s32 $0x1000, s10;
	s16 =	smov.u32 s10;
	p2 =	sgt.s32 s14, $0xC7  }
0x16: {  	s16 =	smov.u32 @p2 s12  }
0x17: {  	s14 =	simm.s32 @p2 $0x0;
	p2 =	sgt.s32 s16, $0xFFF  }
0x18: {  	s16 =	smov.u32 @p2 s2;
	p2 =	sne.s32 s11, s7  }
.Ltmp1:
0x19: {  	p1 =	slt.u32 s11, $0x2;
	(pc) =	sbr.rel @!p2 .LBB1_6-.Ltmp1, $4  }
0x1a: {  	s15 =	simm.s32 @!p1 $0x2  }
0x1b: {  	s13 =	smov.u32 s10;
	p0 =	por !p0, !p0;
	_ =	swait.ge @!p1 [sflag:s15], $0x2000  }
0x1c: {  	s12 =	smov.u32 s9;
	[sflag:s15] =	ssyncset.done @!p1 $0x0;
	s9 =	smov.u32 s14  }
0x1d: {  	s11 =	sadd.s32 $0x1, s11;
	[sflag:s15] =	ssyncadd.s32 @!p1 $0xFFFFE000;
	s10 =	smov.u32 s16  }
.LBB1_1:
0x1e: {  	p1 =	sge.u32 s11, s5  }
0x1f: {  	s14 =	sand.u32 @!p1 $0x1FFFFFF, s9  }
0x20: {  	s15 =	smulhi.u32 @!p1 $0x147AE15, s14;
	_ =	sdelay $0x1  }
0x21: {  	s15 =	smul.u32 @!p1 $0xC8, s15  }
0x22: {  	s16 =	sxor.u32 @!p1 $0xFFFFFFFF, s11;
	s17 =	smul.u32 @!p1 $0xC80, s10  }
0x23: {  	s31 =	sadd.s32 $0xFFFFFFFF, s11;
	s16 =	sshll.u32 @!p1 s16, $0xD;
	s14 =	ssub.s32 @!p1 s14, s15  }
0x24: {  	s15 =	sand.u32 @!p1 $0x2000, s16;
	s16 =	sadd.s32 @!p1 s6, s17;
	s14 =	sshll.u32 @!p1 s14, $0x4  }
0x25: {  	s17 =	simm.s32 @!p1 $0x6400;
	s14 =	sadd.s32 @!p1 s14, s16;
	s16 =	simm.s32 @!p1 $0x40  }
0x26: {  	[tilespmem:s15], [sflag:$0x1] =	stream.strided.gather @!p1 [hbm4b:s14+s16], $0x2000, s17, s16, $0x38;
	[tilespmem:$0x8080] =	vst v63  }
0x27: {  	p1 =	sge.u32 s31, s5  }
.Ltmp2:
0x28: {  	_ = 	snop;
	(pc) =	sbr.rel @p1 .LBB1_5-.Ltmp2, $1  }
0x29: {  	_ =	sdelay $0x3  }
0x2a: {  	s14 =	simm.s32 $0x1  }
0x2b: {  	_ =	swait.ge [sflag:s4], $0x2000;
	s14 =	simm.s32 @!p0 $0x0  }
0x2c: {  	[sflag:s4] =	ssyncset.done $0x0;
	s15 =	sshll.u32 s14, $0xD  }
0x2d: {  	[sflag:s4] =	ssyncadd.s32 $0xFFFFE000;
	s18 =	sor.u32 $0x20, s15  }
0x2e: {  	s14 =	smul.u32 $0x8100, s14;
	v3 =	vld [tilespmem:s18+$0x10]  }
0x2f: {  	s30 =	sand.u32 $0x1, s11;
	v2 =	vld [tilespmem:s18+$0xFFFFFFF0]  }
0x30: {  	s15 =	smul.u32 $0x8100, s30;
	s14 =	sshrl.u32 s14, $0x2;
	v0 =	vld [tilespmem:s18+$0x0]  }
0x31: {  	v1 =	vld [tilespmem:s18+$0xFFFFFFE0];
	s16 =	sor.u32 $0x4000, s14  }
0x32: {  	s31 =	sshrl.u32 s15, $0x2;
	s15 =	sadd.s32 $0x0, s16  }
0x33: {  	s17 =	simm.s32 $0x4;
	s18 =	sadd.s32 $0x40, s18;
	s14 =	sor.u32 $0x4000, s31;
	[tilespmem:s15+$0x1830 ss:$0x81] =	vst.msk $0xffff, v3  }
.LBB1_3:
0x34: {  	v3 =	vld [tilespmem:s18+$0x10];
	p1 =	sne.s32 s17, $0x1FC;
	[tilespmem:s15+$0x810 ss:$0x81] =	vst.msk $0xffff, v2;
	s19 =	smov.u32 s17;
	s17 =	sadd.s32 $0x4, s17  }
.Ltmp3:
0x35: {  	v2 =	vld [tilespmem:s18+$0xFFFFFFF0];
	[tilespmem:s15+$0x1020 ss:$0x81] =	vst.msk $0xffff, v0;
	(pc) =	sbr.rel @p1 .LBB1_3-.Ltmp3, $4  }
0x36: {  	v0 =	vld [tilespmem:s18+$0x0];
	[tilespmem:s15+$0x0 ss:$0x81] =	vst.msk $0xffff, v1  }
0x37: {  	s15 =	sshra.s32 s19, $0x2;
	v1 =	vld [tilespmem:s18+$0xFFFFFFE0]  }
0x38: {  	s15 =	sadd.s32 s15, s16  }
0x39: {  	s18 =	sadd.s32 $0x40, s18;
	[tilespmem:s15+$0x1830 ss:$0x81] =	vst.msk $0xffff, v3  }
.Ltmp4:
0x3a: {  	_ = 	snop;
	(pc) =	sbr.rel .LBB1_4-.Ltmp4, $1  }
0x3b: {  	_ =	sdelay $0x3  }
.LBB1_6:
0x3c: {  	_ =	sfence.sel $0x180000  }
0x3d: {  	s2 =	simm.s32 $0x1;
	[bflag:$0x0] =	sbarrier.arrive $0xFFFF  }
0x3e: {  	s31 =	simm.s32 $0x2;
	[sflag:s2] =	ssyncpa.u1 $0x1  }
0x3f: {  	[sflag:s31] =	ssyncpa.u1 $0x1  }
0x40: {  	p0 =	sne.s32 s0, $0x0;
	_ =	strace $0x9000004A  }
0x41: {  	s0 =	sadd.s32 @!p0 $0x100000, s1;
	[bflag:$0x2] =	sbarrier.arrive $0xFFFF  }
0x42: {  	[sflag:s0] =	ssyncadd.tile.s32 @!p0 $0x1;
	_ =	shalt  }
.Lfunc_end1:
_tile_overlayer_lowered:
.L_overlay_start_2:
0x43: {  	(tag) =	ssettag $0x2  }
0x44: {  	s0 =	rddreg [dreg:$0x0];
	s2 =	stileid.u32  }
0x45: {  	s1 =	rddreg [dreg:$0x1];
	p0 =	sne.s32 s2, $0x0  }
0x46: {  	s3 =	rddreg [dreg:$0x2];
	[bflag:$0x3] =	sbarrier.arrive $0xFFFF;
	s2 =	simm.s32 @!p0 $0x1C01  }
0x47: {  	[timem:s3], [sflag:s2] =	dma.local @!p0 [hbm:s0], s1  }
0x48: {  	s0 =	simm.s32 @!p0 $0x1  }
0x49: {  	_ =	swait.ge @!p0 [sflag:s0], s1  }
0x4a: {  	s1 =	ssub.s32 @!p0 $0x0, s1;
	[sflag:s0] =	ssyncset.done @!p0 $0x0  }
0x4b: {  	[sflag:s0] =	ssyncadd.s32 @!p0 s1  }
0x4c: {  	[bflag:$0x3] =	sbarrier.arrive $0xFFFF  }
0x4d: {  	_ =	shalt  }

</sc_bundles>
